<compile_context>
chip_gen: v7x
topology: tpu7x:2x2x1
jax: 0.10.2.dev20260603
libtpu: 0.0.44.dev20260713+nightly
codegen_flags: <defaults>
</compile_context>

<pallas_src>
import functools

import jax
import jax.numpy as jnp
from jax import lax
from jax.experimental import pallas as pl
from jax.experimental.pallas import tpu as pltpu
from jax.experimental.pallas import tpu_sc as plsc

NF = 9
D = 64
L = 16
NC, NS = 2, 16
NW = NC * NS
N = 100000
APW = 3200
APW_LAST = N - 31 * APW
CHUNK = 400
CW = CHUNK * D
NSUB = CHUNK // L

OFF0 = 0
OFF1 = 119
OFF2 = 135
OFF3 = 279
TROWS = 639

WOFF = {1: 0, 2: 4, 3: 16, 4: 28, 5: 38, 6: 44, 7: 50, 8: 52}
WROWS = 54


def _sc_body(x_hbm, w_hbm, w0_hbm, out_hbm, xbuf, tbuf, wbuf, obuf, sem, xsem):
    wid = lax.axis_index("s") * NC + lax.axis_index("c")
    lanes = lax.iota(jnp.int32, L)
    start = wid * APW

    tcopy0 = pltpu.async_copy(w0_hbm, tbuf.at[pl.ds(0, 119 * D)], sem)
    tcopy1 = pltpu.async_copy(w_hbm, wbuf, sem)

    @pl.when(wid < 31)
    def _():
        pltpu.async_copy(
            x_hbm.at[pl.ds(start * NF, APW * NF)], xbuf.at[pl.ds(0, APW * NF)], xsem
        )

    @pl.when(wid == 31)
    def _():
        pltpu.async_copy(
            x_hbm.at[pl.ds(31 * APW * NF, APW_LAST * NF)],
            xbuf.at[pl.ds(0, APW_LAST * NF)],
            xsem,
        )

    tcopy0.wait()
    tcopy1.wait()

    def w_row(i, r):
        return (WOFF[i] + r) * D

    for r in range(16):
        a, b, c = r // 4, (r // 2) % 2, r % 2
        for cb in range(D // L):
            v = (
                wbuf[pl.ds(w_row(1, a) + cb * L, L)]
                + wbuf[pl.ds(w_row(7, b) + cb * L, L)]
                + wbuf[pl.ds(w_row(8, c) + cb * L, L)]
            )
            tbuf[pl.ds((OFF1 + r) * D + cb * L, L)] = v

    def g2_row(r, carry):
        a = r // 12
        b = r - a * 12
        for cb in range(D // L):
            v = wbuf[pl.ds(w_row(2, a) + cb * L, L)] + wbuf[pl.ds(w_row(3, b) + cb * L, L)]
            tbuf[pl.ds((OFF2 + r) * D + cb * L, L)] = v
        return carry

    lax.fori_loop(0, 144, g2_row, 0)

    def g3_row(r, carry):
        a = r // 36
        s = r - a * 36
        b = s // 6
        c = s - b * 6
        for cb in range(D // L):
            v = (
                wbuf[pl.ds(w_row(4, a) + cb * L, L)]
                + wbuf[pl.ds(w_row(5, b) + cb * L, L)]
                + wbuf[pl.ds(w_row(6, c) + cb * L, L)]
            )
            tbuf[pl.ds((OFF3 + r) * D + cb * L, L)] = v
        return carry

    lax.fori_loop(0, 360, g3_row, 0)

    @pl.when(wid < 31)
    def _():
        pltpu.make_async_copy(
            x_hbm.at[pl.ds(0, APW * NF)], xbuf.at[pl.ds(0, APW * NF)], xsem
        ).wait()

    @pl.when(wid == 31)
    def _():
        pltpu.make_async_copy(
            x_hbm.at[pl.ds(0, APW_LAST * NF)], xbuf.at[pl.ds(0, APW_LAST * NF)], xsem
        ).wait()

    nchunks = jnp.where(wid == 31, APW_LAST // CHUNK, APW // CHUNK)

    def chunk(j, carry):
        p = j & 1
        pbase = p * CW
        cb_atoms = j * CHUNK

        @pl.when(j >= 2)
        def _():
            pltpu.make_async_copy(
                obuf.at[pl.ds(0, CW)], out_hbm.at[pl.ds(0, CW)], sem
            ).wait()

        def sub(v, carry2):
            av = cb_atoms + lanes + L * v
            rowsx = av * NF
            xs = [plsc.load_gather(xbuf, [rowsx + i]) for i in range(NF)]
            b0 = (xs[0] + OFF0) * D
            b1 = (((xs[1] * 2 + xs[7]) * 2 + xs[8]) + OFF1) * D
            b2 = ((xs[2] * 12 + xs[3]) + OFF2) * D
            b3 = ((((xs[4] * 6 + xs[5]) * 6 + xs[6])) + OFF3) * D
            sb = pbase + (lanes + L * v) * D
            s = (b0 + b1) + (b2 + b3)
            plsc.store_scatter(obuf, [sb], s.astype(jnp.float32))
            return carry2

        lax.fori_loop(0, NSUB, sub, 0)

        pltpu.async_copy(
            obuf.at[pl.ds(pbase, CW)],
            out_hbm.at[pl.ds((start + cb_atoms) * D, CW)],
            sem,
        )
        return carry

    lax.fori_loop(0, nchunks, chunk, 0)

    pltpu.make_async_copy(
        obuf.at[pl.ds(0, CW)], out_hbm.at[pl.ds(0, CW)], sem
    ).wait()
    pltpu.make_async_copy(
        obuf.at[pl.ds(0, CW)], out_hbm.at[pl.ds(0, CW)], sem
    ).wait()


@jax.jit
def kernel(x, W0, W1, W2, W3, W4, W5, W6, W7, W8):
    x = x.astype(jnp.int32).reshape(N * NF)
    wcat = jnp.concatenate(
        [W1, W2, W3, W4, W5, W6, W7, W8], axis=0
    ).reshape(WROWS * D)
    w0 = W0.reshape(119 * D)
    mesh = plsc.VectorSubcoreMesh(core_axis_name="c", subcore_axis_name="s")
    run = pl.kernel(
        _sc_body,
        out_type=jax.ShapeDtypeStruct((N * D,), jnp.float32),
        mesh=mesh,
        scratch_types=[
            pltpu.VMEM((APW * NF,), jnp.int32),
            pltpu.VMEM((TROWS * D,), jnp.float32),
            pltpu.VMEM((WROWS * D,), jnp.float32),
            pltpu.VMEM((2 * CW,), jnp.float32),
            pltpu.SemaphoreType.DMA,
            pltpu.SemaphoreType.DMA,
        ],
        compiler_params=pltpu.CompilerParams(
            needs_layout_passes=False, use_tc_tiling_on_sc=False
        ),
    )
    return run(x, wcat, w0).reshape(N, D)

# --- scband reference (transcript-rebuilt; emitter-appended) ---
"""Pipeline reference for scband-atom-embedding-net-53601191854188 (READ-ONLY COPY).

The authoritative reference and input builder live on the scoring server;
editing this copy changes nothing except your own understanding.
"""

import jax, jax.numpy as jnp
import numpy as np

ATOM_FEATURE_DIMS = [119, 4, 12, 12, 10, 6, 6, 2, 2]
EMBED_DIM = 64
N_ATOMS = 100000


def _xavier_uniform(key, shape):
    fan_in, fan_out = shape[0], shape[1]
    bound = float(np.sqrt(6.0 / (fan_in + fan_out)))
    return jax.random.uniform(key, shape, dtype=jnp.float32, minval=-bound, maxval=bound)


def setup_inputs(seed: int = 0) -> dict:
    key = jax.random.key(seed)
    inp = {}
    # indices: each column must be in-range for its table; use per-column randint
    cols = []
    for i, d in enumerate(ATOM_FEATURE_DIMS):
        k = jax.random.fold_in(key, 1000 + i)
        cols.append(jax.random.randint(k, (N_ATOMS,), 0, d, dtype=jnp.int64))
    inp['x'] = jnp.stack(cols, axis=1)
    for i, d in enumerate(ATOM_FEATURE_DIMS):
        k = jax.random.fold_in(key, i)
        inp[f'W{i}'] = _xavier_uniform(k, (d, EMBED_DIM))
    return inp


def reference(x, W0, W1, W2, W3, W4, W5, W6, W7, W8):
    tables = [W0, W1, W2, W3, W4, W5, W6, W7, W8]
    out = jnp.zeros((x.shape[0], EMBED_DIM), dtype=jnp.float32)
    for i, W in enumerate(tables):
        out = out + jnp.take(W, x[:, i], axis=0)
    return out

if __name__ == "__main__":
    import jax
    _d = setup_inputs()
    print(jax.jit(kernel)(*tuple(_d.values())))

</pallas_src>

<mosaic_0001>
#map = affine_map<(d0, d1) -> (0)>
module attributes {stable_mosaic.version = 14 : i64} {
  func.func @_sc_body(%arg0: i32, %arg1: i32, %arg2: memref<900000xi32, #tpu.memory_space<hbm>>, %arg3: memref<3456xf32, #tpu.memory_space<hbm>>, %arg4: memref<7616xf32, #tpu.memory_space<hbm>>, %arg5: memref<6400000xf32, #tpu.memory_space<hbm>>, %arg6: memref<28800xi32, #tpu.memory_space<vmem>>, %arg7: memref<40896xf32, #tpu.memory_space<vmem>>, %arg8: memref<3456xf32, #tpu.memory_space<vmem>>, %arg9: memref<51200xf32, #tpu.memory_space<vmem>>, %arg10: memref<!tpu.dma_semaphore, #tpu.memory_space<semaphore_mem>>, %arg11: memref<!tpu.dma_semaphore, #tpu.memory_space<semaphore_mem>>) attributes {dimension_semantics = [#tpu.dimension_semantics<core_parallel>, #tpu.dimension_semantics<subcore_parallel>], iteration_bounds = array<i64: 2, 16>, scalar_prefetch = 0 : i64, scratch_operands = 6 : i64, tpu.core_type = #tpu.core_type<sc_vector_subcore>, window_params = [{transform_indices = #map}, {transform_indices = #map}, {transform_indices = #map}, {transform_indices = #map}]} {
    %mul3A = arith.constant 2 : i32
    %mul3A_0 = arith.muli %arg1, %mul3A : i32
    %add3A = arith.addi %mul3A_0, %arg0 : i32
    %iota3A = tpu.iota {dimensions = array<i32: 0>} : vector<16xi32>
    %mul3A_1 = arith.constant 3200 : i32
    %mul3A_2 = arith.muli %add3A, %mul3A_1 : i32
    %dma_start3A = arith.constant 0 : i32
    %dma_start3A_3 = tpu.memref_slice %arg7[%dma_start3A] : memref<40896xf32, #tpu.memory_space<vmem>> -> memref<7616xf32, #tpu.memory_space<vmem>>
    %dma_start3A_4 = arith.constant 0 : i32
    %dma_start3A_5 = tpu.memref_slice %arg7[%dma_start3A_4] : memref<40896xf32, #tpu.memory_space<vmem>> -> memref<7616xf32, #tpu.memory_space<vmem>>
    tpu.enqueue_dma source(%arg4 : memref<7616xf32, #tpu.memory_space<hbm>>) target(%dma_start3A_5 : memref<7616xf32, #tpu.memory_space<vmem>>) target_semaphore(%arg10 : memref<!tpu.dma_semaphore, #tpu.memory_space<semaphore_mem>>)
    tpu.enqueue_dma source(%arg3 : memref<3456xf32, #tpu.memory_space<hbm>>) target(%arg8 : memref<3456xf32, #tpu.memory_space<vmem>>) target_semaphore(%arg10 : memref<!tpu.dma_semaphore, #tpu.memory_space<semaphore_mem>>)
    %lt3A = arith.constant 31 : i32
    %lt3A_6 = arith.cmpi slt, %add3A, %lt3A : i32
    %convert_element_type3A = arith.extui %lt3A_6 : i1 to i32
    %cond3A = arith.constant 0 : i32
    %cond3A_7 = arith.cmpi ne, %convert_element_type3A, %cond3A : i32
    scf.if %cond3A_7 {
      %mul3A_702 = arith.constant 9 : i32
      %mul3A_703 = arith.muli %mul3A_2, %mul3A_702 : i32
      %dma_start3A_704 = arith.constant 0 : i32
      %dma_start3A_705 = tpu.memref_slice %arg6[%dma_start3A_704] : memref<28800xi32, #tpu.memory_space<vmem>> -> memref<28800xi32, #tpu.memory_space<vmem>>
      %dma_start3A_706 = tpu.memref_slice %arg2[%mul3A_703] : memref<900000xi32, #tpu.memory_space<hbm>> -> memref<28800xi32, #tpu.memory_space<hbm>>
      %dma_start3A_707 = arith.constant 0 : i32
      %dma_start3A_708 = tpu.memref_slice %arg6[%dma_start3A_707] : memref<28800xi32, #tpu.memory_space<vmem>> -> memref<28800xi32, #tpu.memory_space<vmem>>
      %dma_start3A_709 = tpu.memref_slice %arg2[%mul3A_703] : memref<900000xi32, #tpu.memory_space<hbm>> -> memref<28800xi32, #tpu.memory_space<hbm>>
      tpu.enqueue_dma source(%dma_start3A_709 : memref<28800xi32, #tpu.memory_space<hbm>>) target(%dma_start3A_708 : memref<28800xi32, #tpu.memory_space<vmem>>) target_semaphore(%arg11 : memref<!tpu.dma_semaphore, #tpu.memory_space<semaphore_mem>>)
    } else {
    }
    %eq3A = arith.constant 31 : i32
    %eq3A_8 = arith.cmpi eq, %add3A, %eq3A : i32
    %convert_element_type3A_9 = arith.extui %eq3A_8 : i1 to i32
    %cond3A_10 = arith.constant 0 : i32
    %cond3A_11 = arith.cmpi ne, %convert_element_type3A_9, %cond3A_10 : i32
    scf.if %cond3A_11 {
      %dma_start3A_702 = arith.constant 0 : i32
      %dma_start3A_703 = tpu.memref_slice %arg6[%dma_start3A_702] : memref<28800xi32, #tpu.memory_space<vmem>> -> memref<7200xi32, #tpu.memory_space<vmem>>
      %dma_start3A_704 = arith.constant 892800 : i32
      %dma_start3A_705 = tpu.memref_slice %arg2[%dma_start3A_704] : memref<900000xi32, #tpu.memory_space<hbm>> -> memref<7200xi32, #tpu.memory_space<hbm>>
      %dma_start3A_706 = arith.constant 0 : i32
      %dma_start3A_707 = tpu.memref_slice %arg6[%dma_start3A_706] : memref<28800xi32, #tpu.memory_space<vmem>> -> memref<7200xi32, #tpu.memory_space<vmem>>
      %dma_start3A_708 = arith.constant 892800 : i32
      %dma_start3A_709 = tpu.memref_slice %arg2[%dma_start3A_708] : memref<900000xi32, #tpu.memory_space<hbm>> -> memref<7200xi32, #tpu.memory_space<hbm>>
      tpu.enqueue_dma source(%dma_start3A_709 : memref<7200xi32, #tpu.memory_space<hbm>>) target(%dma_start3A_707 : memref<7200xi32, #tpu.memory_space<vmem>>) target_semaphore(%arg11 : memref<!tpu.dma_semaphore, #tpu.memory_space<semaphore_mem>>)
    } else {
    }
    %dma_wait3A = arith.constant 0 : i32
    %dma_wait3A_12 = tpu.memref_slice %arg7[%dma_wait3A] : memref<40896xf32, #tpu.memory_space<vmem>> -> memref<7616xf32, #tpu.memory_space<vmem>>
    %dma_wait3A_13 = arith.constant 0 : i32
    %dma_wait3A_14 = tpu.memref_slice %arg7[%dma_wait3A_13] : memref<40896xf32, #tpu.memory_space<vmem>> -> memref<7616xf32, #tpu.memory_space<vmem>>
    tpu.wait_dma2 semaphore(%arg10 : memref<!tpu.dma_semaphore, #tpu.memory_space<semaphore_mem>>) src(%arg4 : memref<7616xf32, #tpu.memory_space<hbm>>) dst(%dma_wait3A_14 : memref<7616xf32, #tpu.memory_space<vmem>>)
    tpu.wait_dma2 semaphore(%arg10 : memref<!tpu.dma_semaphore, #tpu.memory_space<semaphore_mem>>) src(%arg3 : memref<3456xf32, #tpu.memory_space<hbm>>) dst(%arg8 : memref<3456xf32, #tpu.memory_space<vmem>>)
    %get3A = arith.constant 0 : index
    %get3A_15 = tpu.vector_load %arg8[%get3A] {strides = array<i32>} : memref<3456xf32, #tpu.memory_space<vmem>>, vector<16xf32>,
    %get3A_16 = arith.constant 3200 : index
    %get3A_17 = tpu.vector_load %arg8[%get3A_16] {strides = array<i32>} : memref<3456xf32, #tpu.memory_space<vmem>>, vector<16xf32>,
    %add3A_18 = arith.addf %get3A_15, %get3A_17 : vector<16xf32>
    %get3A_19 = arith.constant 3328 : index
    %get3A_20 = tpu.vector_load %arg8[%get3A_19] {strides = array<i32>} : memref<3456xf32, #tpu.memory_space<vmem>>, vector<16xf32>,
    %add3A_21 = arith.addf %add3A_18, %get3A_20 : vector<16xf32>
    %swap3A = arith.constant 7616 : index
    %swap3A_22 = tpu.vector_load %arg7[%swap3A] {strides = array<i32>} : memref<40896xf32, #tpu.memory_space<vmem>>, vector<16xf32>,
    tpu.vector_store %arg7[%swap3A], %add3A_21 {strides = array<i32>} : memref<40896xf32, #tpu.memory_space<vmem>>, vector<16xf32>,
    %get3A_23 = arith.constant 16 : index
    %get3A_24 = tpu.vector_load %arg8[%get3A_23] {strides = array<i32>} : memref<3456xf32, #tpu.memory_space<vmem>>, vector<16xf32>,
    %get3A_25 = arith.constant 3216 : index
    %get3A_26 = tpu.vector_load %arg8[%get3A_25] {strides = array<i32>} : memref<3456xf32, #tpu.memory_space<vmem>>, vector<16xf32>,
    %add3A_27 = arith.addf %get3A_24, %get3A_26 : vector<16xf32>
    %get3A_28 = arith.constant 3344 : index
    %get3A_29 = tpu.vector_load %arg8[%get3A_28] {strides = array<i32>} : memref<3456xf32, #tpu.memory_space<vmem>>, vector<16xf32>,
    %add3A_30 = arith.addf %add3A_27, %get3A_29 : vector<16xf32>
    %swap3A_31 = arith.constant 7632 : index
    %swap3A_32 = tpu.vector_load %arg7[%swap3A_31] {strides = array<i32>} : memref<40896xf32, #tpu.memory_space<vmem>>, vector<16xf32>,
    tpu.vector_store %arg7[%swap3A_31], %add3A_30 {strides = array<i32>} : memref<40896xf32, #tpu.memory_space<vmem>>, vector<16xf32>,
    %get3A_33 = arith.constant 32 : index
    %get3A_34 = tpu.vector_load %arg8[%get3A_33] {strides = array<i32>} : memref<3456xf32, #tpu.memory_space<vmem>>, vector<16xf32>,
    %get3A_35 = arith.constant 3232 : index
    %get3A_36 = tpu.vector_load %arg8[%get3A_35] {strides = array<i32>} : memref<3456xf32, #tpu.memory_space<vmem>>, vector<16xf32>,
    %add3A_37 = arith.addf %get3A_34, %get3A_36 : vector<16xf32>
    %get3A_38 = arith.constant 3360 : index
    %get3A_39 = tpu.vector_load %arg8[%get3A_38] {strides = array<i32>} : memref<3456xf32, #tpu.memory_space<vmem>>, vector<16xf32>,
    %add3A_40 = arith.addf %add3A_37, %get3A_39 : vector<16xf32>
    %swap3A_41 = arith.constant 7648 : index
    %swap3A_42 = tpu.vector_load %arg7[%swap3A_41] {strides = array<i32>} : memref<40896xf32, #tpu.memory_space<vmem>>, vector<16xf32>,
    tpu.vector_store %arg7[%swap3A_41], %add3A_40 {strides = array<i32>} : memref<40896xf32, #tpu.memory_space<vmem>>, vector<16xf32>,
    %get3A_43 = arith.constant 48 : index
    %get3A_44 = tpu.vector_load %arg8[%get3A_43] {strides = array<i32>} : memref<3456xf32, #tpu.memory_space<vmem>>, vector<16xf32>,
    %get3A_45 = arith.constant 3248 : index
    %get3A_46 = tpu.vector_load %arg8[%get3A_45] {strides = array<i32>} : memref<3456xf32, #tpu.memory_space<vmem>>, vector<16xf32>,
    %add3A_47 = arith.addf %get3A_44, %get3A_46 : vector<16xf32>
    %get3A_48 = arith.constant 3376 : index
    %get3A_49 = tpu.vector_load %arg8[%get3A_48] {strides = array<i32>} : memref<3456xf32, #tpu.memory_space<vmem>>, vector<16xf32>,
    %add3A_50 = arith.addf %add3A_47, %get3A_49 : vector<16xf32>
    %swap3A_51 = arith.constant 7664 : index
    %swap3A_52 = tpu.vector_load %arg7[%swap3A_51] {strides = array<i32>} : memref<40896xf32, #tpu.memory_space<vmem>>, vector<16xf32>,
    tpu.vector_store %arg7[%swap3A_51], %add3A_50 {strides = array<i32>} : memref<40896xf32, #tpu.memory_space<vmem>>, vector<16xf32>,
    %get3A_53 = arith.constant 0 : index
    %get3A_54 = tpu.vector_load %arg8[%get3A_53] {strides = array<i32>} : memref<3456xf32, #tpu.memory_space<vmem>>, vector<16xf32>,
    %get3A_55 = arith.constant 3200 : index
    %get3A_56 = tpu.vector_load %arg8[%get3A_55] {strides = array<i32>} : memref<3456xf32, #tpu.memory_space<vmem>>, vector<16xf32>,
    %add3A_57 = arith.addf %get3A_54, %get3A_56 : vector<16xf32>
    %get3A_58 = arith.constant 3392 : index
    %get3A_59 = tpu.vector_load %arg8[%get3A_58] {strides = array<i32>} : memref<3456xf32, #tpu.memory_space<vmem>>, vector<16xf32>,
    %add3A_60 = arith.addf %add3A_57, %get3A_59 : vector<16xf32>
    %swap3A_61 = arith.constant 7680 : index
    %swap3A_62 = tpu.vector_load %arg7[%swap3A_61] {strides = array<i32>} : memref<40896xf32, #tpu.memory_space<vmem>>, vector<16xf32>,
    tpu.vector_store %arg7[%swap3A_61], %add3A_60 {strides = array<i32>} : memref<40896xf32, #tpu.memory_space<vmem>>, vector<16xf32>,
    %get3A_63 = arith.constant 16 : index
    %get3A_64 = tpu.vector_load %arg8[%get3A_63] {strides = array<i32>} : memref<3456xf32, #tpu.memory_space<vmem>>, vector<16xf32>,
    %get3A_65 = arith.constant 3216 : index
    %get3A_66 = tpu.vector_load %arg8[%get3A_65] {strides = array<i32>} : memref<3456xf32, #tpu.memory_space<vmem>>, vector<16xf32>,
    %add3A_67 = arith.addf %get3A_64, %get3A_66 : vector<16xf32>
    %get3A_68 = arith.constant 3408 : index
    %get3A_69 = tpu.vector_load %arg8[%get3A_68] {strides = array<i32>} : memref<3456xf32, #tpu.memory_space<vmem>>, vector<16xf32>,
    %add3A_70 = arith.addf %add3A_67, %get3A_69 : vector<16xf32>
    %swap3A_71 = arith.constant 7696 : index
    %swap3A_72 = tpu.vector_load %arg7[%swap3A_71] {strides = array<i32>} : memref<40896xf32, #tpu.memory_space<vmem>>, vector<16xf32>,
    tpu.vector_store %arg7[%swap3A_71], %add3A_70 {strides = array<i32>} : memref<40896xf32, #tpu.memory_space<vmem>>, vector<16xf32>,
    %get3A_73 = arith.constant 32 : index
    %get3A_74 = tpu.vector_load %arg8[%get3A_73] {strides = array<i32>} : memref<3456xf32, #tpu.memory_space<vmem>>, vector<16xf32>,
    %get3A_75 = arith.constant 3232 : index
    %get3A_76 = tpu.vector_load %arg8[%get3A_75] {strides = array<i32>} : memref<3456xf32, #tpu.memory_space<vmem>>, vector<16xf32>,
    %add3A_77 = arith.addf %get3A_74, %get3A_76 : vector<16xf32>
    %get3A_78 = arith.constant 3424 : index
    %get3A_79 = tpu.vector_load %arg8[%get3A_78] {strides = array<i32>} : memref<3456xf32, #tpu.memory_space<vmem>>, vector<16xf32>,
    %add3A_80 = arith.addf %add3A_77, %get3A_79 : vector<16xf32>
    %swap3A_81 = arith.constant 7712 : index
    %swap3A_82 = tpu.vector_load %arg7[%swap3A_81] {strides = array<i32>} : memref<40896xf32, #tpu.memory_space<vmem>>, vector<16xf32>,
    tpu.vector_store %arg7[%swap3A_81], %add3A_80 {strides = array<i32>} : memref<40896xf32, #tpu.memory_space<vmem>>, vector<16xf32>,
    %get3A_83 = arith.constant 48 : index
    %get3A_84 = tpu.vector_load %arg8[%get3A_83] {strides = array<i32>} : memref<3456xf32, #tpu.memory_space<vmem>>, vector<16xf32>,
    %get3A_85 = arith.constant 3248 : index
    %get3A_86 = tpu.vector_load %arg8[%get3A_85] {strides = array<i32>} : memref<3456xf32, #tpu.memory_space<vmem>>, vector<16xf32>,
    %add3A_87 = arith.addf %get3A_84, %get3A_86 : vector<16xf32>
    %get3A_88 = arith.constant 3440 : index
    %get3A_89 = tpu.vector_load %arg8[%get3A_88] {strides = array<i32>} : memref<3456xf32, #tpu.memory_space<vmem>>, vector<16xf32>,
    %add3A_90 = arith.addf %add3A_87, %get3A_89 : vector<16xf32>
    %swap3A_91 = arith.constant 7728 : index
    %swap3A_92 = tpu.vector_load %arg7[%swap3A_91] {strides = array<i32>} : memref<40896xf32, #tpu.memory_space<vmem>>, vector<16xf32>,
    tpu.vector_store %arg7[%swap3A_91], %add3A_90 {strides = array<i32>} : memref<40896xf32, #tpu.memory_space<vmem>>, vector<16xf32>,
    %get3A_93 = arith.constant 0 : index
    %get3A_94 = tpu.vector_load %arg8[%get3A_93] {strides = array<i32>} : memref<3456xf32, #tpu.memory_space<vmem>>, vector<16xf32>,
    %get3A_95 = arith.constant 3264 : index
    %get3A_96 = tpu.vector_load %arg8[%get3A_95] {strides = array<i32>} : memref<3456xf32, #tpu.memory_space<vmem>>, vector<16xf32>,
    %add3A_97 = arith.addf %get3A_94, %get3A_96 : vector<16xf32>
    %get3A_98 = arith.constant 3328 : index
    %get3A_99 = tpu.vector_load %arg8[%get3A_98] {strides = array<i32>} : memref<3456xf32, #tpu.memory_space<vmem>>, vector<16xf32>,
    %add3A_100 = arith.addf %add3A_97, %get3A_99 : vector<16xf32>
    %swap3A_101 = arith.constant 7744 : index
    %swap3A_102 = tpu.vector_load %arg7[%swap3A_101] {strides = array<i32>} : memref<40896xf32, #tpu.memory_space<vmem>>, vector<16xf32>,
    tpu.vector_store %arg7[%swap3A_101], %add3A_100 {strides = array<i32>} : memref<40896xf32, #tpu.memory_space<vmem>>, vector<16xf32>,
    %get3A_103 = arith.constant 16 : index
    %get3A_104 = tpu.vector_load %arg8[%get3A_103] {strides = array<i32>} : memref<3456xf32, #tpu.memory_space<vmem>>, vector<16xf32>,
    %get3A_105 = arith.constant 3280 : index
    %get3A_106 = tpu.vector_load %arg8[%get3A_105] {strides = array<i32>} : memref<3456xf32, #tpu.memory_space<vmem>>, vector<16xf32>,
    %add3A_107 = arith.addf %get3A_104, %get3A_106 : vector<16xf32>
    %get3A_108 = arith.constant 3344 : index
    %get3A_109 = tpu.vector_load %arg8[%get3A_108] {strides = array<i32>} : memref<3456xf32, #tpu.memory_space<vmem>>, vector<16xf32>,
    %add3A_110 = arith.addf %add3A_107, %get3A_109 : vector<16xf32>
    %swap3A_111 = arith.constant 7760 : index
    %swap3A_112 = tpu.vector_load %arg7[%swap3A_111] {strides = array<i32>} : memref<40896xf32, #tpu.memory_space<vmem>>, vector<16xf32>,
    tpu.vector_store %arg7[%swap3A_111], %add3A_110 {strides = array<i32>} : memref<40896xf32, #tpu.memory_space<vmem>>, vector<16xf32>,
    %get3A_113 = arith.constant 32 : index
    %get3A_114 = tpu.vector_load %arg8[%get3A_113] {strides = array<i32>} : memref<3456xf32, #tpu.memory_space<vmem>>, vector<16xf32>,
    %get3A_115 = arith.constant 3296 : index
    %get3A_116 = tpu.vector_load %arg8[%get3A_115] {strides = array<i32>} : memref<3456xf32, #tpu.memory_space<vmem>>, vector<16xf32>,
    %add3A_117 = arith.addf %get3A_114, %get3A_116 : vector<16xf32>
    %get3A_118 = arith.constant 3360 : index
    %get3A_119 = tpu.vector_load %arg8[%get3A_118] {strides = array<i32>} : memref<3456xf32, #tpu.memory_space<vmem>>, vector<16xf32>,
    %add3A_120 = arith.addf %add3A_117, %get3A_119 : vector<16xf32>
    %swap3A_121 = arith.constant 7776 : index
    %swap3A_122 = tpu.vector_load %arg7[%swap3A_121] {strides = array<i32>} : memref<40896xf32, #tpu.memory_space<vmem>>, vector<16xf32>,
    tpu.vector_store %arg7[%swap3A_121], %add3A_120 {strides = array<i32>} : memref<40896xf32, #tpu.memory_space<vmem>>, vector<16xf32>,
    %get3A_123 = arith.constant 48 : index
    %get3A_124 = tpu.vector_load %arg8[%get3A_123] {strides = array<i32>} : memref<3456xf32, #tpu.memory_space<vmem>>, vector<16xf32>,
    %get3A_125 = arith.constant 3312 : index
    %get3A_126 = tpu.vector_load %arg8[%get3A_125] {strides = array<i32>} : memref<3456xf32, #tpu.memory_space<vmem>>, vector<16xf32>,
    %add3A_127 = arith.addf %get3A_124, %get3A_126 : vector<16xf32>
    %get3A_128 = arith.constant 3376 : index
    %get3A_129 = tpu.vector_load %arg8[%get3A_128] {strides = array<i32>} : memref<3456xf32, #tpu.memory_space<vmem>>, vector<16xf32>,
    %add3A_130 = arith.addf %add3A_127, %get3A_129 : vector<16xf32>
    %swap3A_131 = arith.constant 7792 : index
    %swap3A_132 = tpu.vector_load %arg7[%swap3A_131] {strides = array<i32>} : memref<40896xf32, #tpu.memory_space<vmem>>, vector<16xf32>,
    tpu.vector_store %arg7[%swap3A_131], %add3A_130 {strides = array<i32>} : memref<40896xf32, #tpu.memory_space<vmem>>, vector<16xf32>,
    %get3A_133 = arith.constant 0 : index
    %get3A_134 = tpu.vector_load %arg8[%get3A_133] {strides = array<i32>} : memref<3456xf32, #tpu.memory_space<vmem>>, vector<16xf32>,
    %get3A_135 = arith.constant 3264 : index
    %get3A_136 = tpu.vector_load %arg8[%get3A_135] {strides = array<i32>} : memref<3456xf32, #tpu.memory_space<vmem>>, vector<16xf32>,
    %add3A_137 = arith.addf %get3A_134, %get3A_136 : vector<16xf32>
    %get3A_138 = arith.constant 3392 : index
    %get3A_139 = tpu.vector_load %arg8[%get3A_138] {strides = array<i32>} : memref<3456xf32, #tpu.memory_space<vmem>>, vector<16xf32>,
    %add3A_140 = arith.addf %add3A_137, %get3A_139 : vector<16xf32>
    %swap3A_141 = arith.constant 7808 : index
    %swap3A_142 = tpu.vector_load %arg7[%swap3A_141] {strides = array<i32>} : memref<40896xf32, #tpu.memory_space<vmem>>, vector<16xf32>,
    tpu.vector_store %arg7[%swap3A_141], %add3A_140 {strides = array<i32>} : memref<40896xf32, #tpu.memory_space<vmem>>, vector<16xf32>,
    %get3A_143 = arith.constant 16 : index
    %get3A_144 = tpu.vector_load %arg8[%get3A_143] {strides = array<i32>} : memref<3456xf32, #tpu.memory_space<vmem>>, vector<16xf32>,
    %get3A_145 = arith.constant 3280 : index
    %get3A_146 = tpu.vector_load %arg8[%get3A_145] {strides = array<i32>} : memref<3456xf32, #tpu.memory_space<vmem>>, vector<16xf32>,
    %add3A_147 = arith.addf %get3A_144, %get3A_146 : vector<16xf32>
    %get3A_148 = arith.constant 3408 : index
    %get3A_149 = tpu.vector_load %arg8[%get3A_148] {strides = array<i32>} : memref<3456xf32, #tpu.memory_space<vmem>>, vector<16xf32>,
    %add3A_150 = arith.addf %add3A_147, %get3A_149 : vector<16xf32>
    %swap3A_151 = arith.constant 7824 : index
    %swap3A_152 = tpu.vector_load %arg7[%swap3A_151] {strides = array<i32>} : memref<40896xf32, #tpu.memory_space<vmem>>, vector<16xf32>,
    tpu.vector_store %arg7[%swap3A_151], %add3A_150 {strides = array<i32>} : memref<40896xf32, #tpu.memory_space<vmem>>, vector<16xf32>,
    %get3A_153 = arith.constant 32 : index
    %get3A_154 = tpu.vector_load %arg8[%get3A_153] {strides = array<i32>} : memref<3456xf32, #tpu.memory_space<vmem>>, vector<16xf32>,
    %get3A_155 = arith.constant 3296 : index
    %get3A_156 = tpu.vector_load %arg8[%get3A_155] {strides = array<i32>} : memref<3456xf32, #tpu.memory_space<vmem>>, vector<16xf32>,
    %add3A_157 = arith.addf %get3A_154, %get3A_156 : vector<16xf32>
    %get3A_158 = arith.constant 3424 : index
    %get3A_159 = tpu.vector_load %arg8[%get3A_158] {strides = array<i32>} : memref<3456xf32, #tpu.memory_space<vmem>>, vector<16xf32>,
    %add3A_160 = arith.addf %add3A_157, %get3A_159 : vector<16xf32>
    %swap3A_161 = arith.constant 7840 : index
    %swap3A_162 = tpu.vector_load %arg7[%swap3A_161] {strides = array<i32>} : memref<40896xf32, #tpu.memory_space<vmem>>, vector<16xf32>,
    tpu.vector_store %arg7[%swap3A_161], %add3A_160 {strides = array<i32>} : memref<40896xf32, #tpu.memory_space<vmem>>, vector<16xf32>,
    %get3A_163 = arith.constant 48 : index
    %get3A_164 = tpu.vector_load %arg8[%get3A_163] {strides = array<i32>} : memref<3456xf32, #tpu.memory_space<vmem>>, vector<16xf32>,
    %get3A_165 = arith.constant 3312 : index
    %get3A_166 = tpu.vector_load %arg8[%get3A_165] {strides = array<i32>} : memref<3456xf32, #tpu.memory_space<vmem>>, vector<16xf32>,
    %add3A_167 = arith.addf %get3A_164, %get3A_166 : vector<16xf32>
    %get3A_168 = arith.constant 3440 : index
    %get3A_169 = tpu.vector_load %arg8[%get3A_168] {strides = array<i32>} : memref<3456xf32, #tpu.memory_space<vmem>>, vector<16xf32>,
    %add3A_170 = arith.addf %add3A_167, %get3A_169 : vector<16xf32>
    %swap3A_171 = arith.constant 7856 : index
    %swap3A_172 = tpu.vector_load %arg7[%swap3A_171] {strides = array<i32>} : memref<40896xf32, #tpu.memory_space<vmem>>, vector<16xf32>,
    tpu.vector_store %arg7[%swap3A_171], %add3A_170 {strides = array<i32>} : memref<40896xf32, #tpu.memory_space<vmem>>, vector<16xf32>,
    %get3A_173 = arith.constant 64 : index
    %get3A_174 = tpu.vector_load %arg8[%get3A_173] {strides = array<i32>} : memref<3456xf32, #tpu.memory_space<vmem>>, vector<16xf32>,
    %get3A_175 = arith.constant 3200 : index
    %get3A_176 = tpu.vector_load %arg8[%get3A_175] {strides = array<i32>} : memref<3456xf32, #tpu.memory_space<vmem>>, vector<16xf32>,
    %add3A_177 = arith.addf %get3A_174, %get3A_176 : vector<16xf32>
    %get3A_178 = arith.constant 3328 : index
    %get3A_179 = tpu.vector_load %arg8[%get3A_178] {strides = array<i32>} : memref<3456xf32, #tpu.memory_space<vmem>>, vector<16xf32>,
    %add3A_180 = arith.addf %add3A_177, %get3A_179 : vector<16xf32>
    %swap3A_181 = arith.constant 7872 : index
    %swap3A_182 = tpu.vector_load %arg7[%swap3A_181] {strides = array<i32>} : memref<40896xf32, #tpu.memory_space<vmem>>, vector<16xf32>,
    tpu.vector_store %arg7[%swap3A_181], %add3A_180 {strides = array<i32>} : memref<40896xf32, #tpu.memory_space<vmem>>, vector<16xf32>,
    %get3A_183 = arith.constant 80 : index
    %get3A_184 = tpu.vector_load %arg8[%get3A_183] {strides = array<i32>} : memref<3456xf32, #tpu.memory_space<vmem>>, vector<16xf32>,
    %get3A_185 = arith.constant 3216 : index
    %get3A_186 = tpu.vector_load %arg8[%get3A_185] {strides = array<i32>} : memref<3456xf32, #tpu.memory_space<vmem>>, vector<16xf32>,
    %add3A_187 = arith.addf %get3A_184, %get3A_186 : vector<16xf32>
    %get3A_188 = arith.constant 3344 : index
    %get3A_189 = tpu.vector_load %arg8[%get3A_188] {strides = array<i32>} : memref<3456xf32, #tpu.memory_space<vmem>>, vector<16xf32>,
    %add3A_190 = arith.addf %add3A_187, %get3A_189 : vector<16xf32>
    %swap3A_191 = arith.constant 7888 : index
    %swap3A_192 = tpu.vector_load %arg7[%swap3A_191] {strides = array<i32>} : memref<40896xf32, #tpu.memory_space<vmem>>, vector<16xf32>,
    tpu.vector_store %arg7[%swap3A_191], %add3A_190 {strides = array<i32>} : memref<40896xf32, #tpu.memory_space<vmem>>, vector<16xf32>,
    %get3A_193 = arith.constant 96 : index
    %get3A_194 = tpu.vector_load %arg8[%get3A_193] {strides = array<i32>} : memref<3456xf32, #tpu.memory_space<vmem>>, vector<16xf32>,
    %get3A_195 = arith.constant 3232 : index
    %get3A_196 = tpu.vector_load %arg8[%get3A_195] {strides = array<i32>} : memref<3456xf32, #tpu.memory_space<vmem>>, vector<16xf32>,
    %add3A_197 = arith.addf %get3A_194, %get3A_196 : vector<16xf32>
    %get3A_198 = arith.constant 3360 : index
    %get3A_199 = tpu.vector_load %arg8[%get3A_198] {strides = array<i32>} : memref<3456xf32, #tpu.memory_space<vmem>>, vector<16xf32>,
    %add3A_200 = arith.addf %add3A_197, %get3A_199 : vector<16xf32>
    %swap3A_201 = arith.constant 7904 : index
    %swap3A_202 = tpu.vector_load %arg7[%swap3A_201] {strides = array<i32>} : memref<40896xf32, #tpu.memory_space<vmem>>, vector<16xf32>,
    tpu.vector_store %arg7[%swap3A_201], %add3A_200 {strides = array<i32>} : memref<40896xf32, #tpu.memory_space<vmem>>, vector<16xf32>,
    %get3A_203 = arith.constant 112 : index
    %get3A_204 = tpu.vector_load %arg8[%get3A_203] {strides = array<i32>} : memref<3456xf32, #tpu.memory_space<vmem>>, vector<16xf32>,
    %get3A_205 = arith.constant 3248 : index
    %get3A_206 = tpu.vector_load %arg8[%get3A_205] {strides = array<i32>} : memref<3456xf32, #tpu.memory_space<vmem>>, vector<16xf32>,
    %add3A_207 = arith.addf %get3A_204, %get3A_206 : vector<16xf32>
    %get3A_208 = arith.constant 3376 : index
    %get3A_209 = tpu.vector_load %arg8[%get3A_208] {strides = array<i32>} : memref<3456xf32, #tpu.memory_space<vmem>>, vector<16xf32>,
    %add3A_210 = arith.addf %add3A_207, %get3A_209 : vector<16xf32>
    %swap3A_211 = arith.constant 7920 : index
    %swap3A_212 = tpu.vector_load %arg7[%swap3A_211] {strides = array<i32>} : memref<40896xf32, #tpu.memory_space<vmem>>, vector<16xf32>,
    tpu.vector_store %arg7[%swap3A_211], %add3A_210 {strides = array<i32>} : memref<40896xf32, #tpu.memory_space<vmem>>, vector<16xf32>,
    %get3A_213 = arith.constant 64 : index
    %get3A_214 = tpu.vector_load %arg8[%get3A_213] {strides = array<i32>} : memref<3456xf32, #tpu.memory_space<vmem>>, vector<16xf32>,
    %get3A_215 = arith.constant 3200 : index
    %get3A_216 = tpu.vector_load %arg8[%get3A_215] {strides = array<i32>} : memref<3456xf32, #tpu.memory_space<vmem>>, vector<16xf32>,
    %add3A_217 = arith.addf %get3A_214, %get3A_216 : vector<16xf32>
    %get3A_218 = arith.constant 3392 : index
    %get3A_219 = tpu.vector_load %arg8[%get3A_218] {strides = array<i32>} : memref<3456xf32, #tpu.memory_space<vmem>>, vector<16xf32>,
    %add3A_220 = arith.addf %add3A_217, %get3A_219 : vector<16xf32>
    %swap3A_221 = arith.constant 7936 : index
    %swap3A_222 = tpu.vector_load %arg7[%swap3A_221] {strides = array<i32>} : memref<40896xf32, #tpu.memory_space<vmem>>, vector<16xf32>,
    tpu.vector_store %arg7[%swap3A_221], %add3A_220 {strides = array<i32>} : memref<40896xf32, #tpu.memory_space<vmem>>, vector<16xf32>,
    %get3A_223 = arith.constant 80 : index
    %get3A_224 = tpu.vector_load %arg8[%get3A_223] {strides = array<i32>} : memref<3456xf32, #tpu.memory_space<vmem>>, vector<16xf32>,
    %get3A_225 = arith.constant 3216 : index
    %get3A_226 = tpu.vector_load %arg8[%get3A_225] {strides = array<i32>} : memref<3456xf32, #tpu.memory_space<vmem>>, vector<16xf32>,
    %add3A_227 = arith.addf %get3A_224, %get3A_226 : vector<16xf32>
    %get3A_228 = arith.constant 3408 : index
    %get3A_229 = tpu.vector_load %arg8[%get3A_228] {strides = array<i32>} : memref<3456xf32, #tpu.memory_space<vmem>>, vector<16xf32>,
    %add3A_230 = arith.addf %add3A_227, %get3A_229 : vector<16xf32>
    %swap3A_231 = arith.constant 7952 : index
    %swap3A_232 = tpu.vector_load %arg7[%swap3A_231] {strides = array<i32>} : memref<40896xf32, #tpu.memory_space<vmem>>, vector<16xf32>,
    tpu.vector_store %arg7[%swap3A_231], %add3A_230 {strides = array<i32>} : memref<40896xf32, #tpu.memory_space<vmem>>, vector<16xf32>,
    %get3A_233 = arith.constant 96 : index
    %get3A_234 = tpu.vector_load %arg8[%get3A_233] {strides = array<i32>} : memref<3456xf32, #tpu.memory_space<vmem>>, vector<16xf32>,
    %get3A_235 = arith.constant 3232 : index
    %get3A_236 = tpu.vector_load %arg8[%get3A_235] {strides = array<i32>} : memref<3456xf32, #tpu.memory_space<vmem>>, vector<16xf32>,
    %add3A_237 = arith.addf %get3A_234, %get3A_236 : vector<16xf32>
    %get3A_238 = arith.constant 3424 : index
    %get3A_239 = tpu.vector_load %arg8[%get3A_238] {strides = array<i32>} : memref<3456xf32, #tpu.memory_space<vmem>>, vector<16xf32>,
    %add3A_240 = arith.addf %add3A_237, %get3A_239 : vector<16xf32>
    %swap3A_241 = arith.constant 7968 : index
    %swap3A_242 = tpu.vector_load %arg7[%swap3A_241] {strides = array<i32>} : memref<40896xf32, #tpu.memory_space<vmem>>, vector<16xf32>,
    tpu.vector_store %arg7[%swap3A_241], %add3A_240 {strides = array<i32>} : memref<40896xf32, #tpu.memory_space<vmem>>, vector<16xf32>,
    %get3A_243 = arith.constant 112 : index
    %get3A_244 = tpu.vector_load %arg8[%get3A_243] {strides = array<i32>} : memref<3456xf32, #tpu.memory_space<vmem>>, vector<16xf32>,
    %get3A_245 = arith.constant 3248 : index
    %get3A_246 = tpu.vector_load %arg8[%get3A_245] {strides = array<i32>} : memref<3456xf32, #tpu.memory_space<vmem>>, vector<16xf32>,
    %add3A_247 = arith.addf %get3A_244, %get3A_246 : vector<16xf32>
    %get3A_248 = arith.constant 3440 : index
    %get3A_249 = tpu.vector_load %arg8[%get3A_248] {strides = array<i32>} : memref<3456xf32, #tpu.memory_space<vmem>>, vector<16xf32>,
    %add3A_250 = arith.addf %add3A_247, %get3A_249 : vector<16xf32>
    %swap3A_251 = arith.constant 7984 : index
    %swap3A_252 = tpu.vector_load %arg7[%swap3A_251] {strides = array<i32>} : memref<40896xf32, #tpu.memory_space<vmem>>, vector<16xf32>,
    tpu.vector_store %arg7[%swap3A_251], %add3A_250 {strides = array<i32>} : memref<40896xf32, #tpu.memory_space<vmem>>, vector<16xf32>,
    %get3A_253 = arith.constant 64 : index
    %get3A_254 = tpu.vector_load %arg8[%get3A_253] {strides = array<i32>} : memref<3456xf32, #tpu.memory_space<vmem>>, vector<16xf32>,
    %get3A_255 = arith.constant 3264 : index
    %get3A_256 = tpu.vector_load %arg8[%get3A_255] {strides = array<i32>} : memref<3456xf32, #tpu.memory_space<vmem>>, vector<16xf32>,
    %add3A_257 = arith.addf %get3A_254, %get3A_256 : vector<16xf32>
    %get3A_258 = arith.constant 3328 : index
    %get3A_259 = tpu.vector_load %arg8[%get3A_258] {strides = array<i32>} : memref<3456xf32, #tpu.memory_space<vmem>>, vector<16xf32>,
    %add3A_260 = arith.addf %add3A_257, %get3A_259 : vector<16xf32>
    %swap3A_261 = arith.constant 8000 : index
    %swap3A_262 = tpu.vector_load %arg7[%swap3A_261] {strides = array<i32>} : memref<40896xf32, #tpu.memory_space<vmem>>, vector<16xf32>,
    tpu.vector_store %arg7[%swap3A_261], %add3A_260 {strides = array<i32>} : memref<40896xf32, #tpu.memory_space<vmem>>, vector<16xf32>,
    %get3A_263 = arith.constant 80 : index
    %get3A_264 = tpu.vector_load %arg8[%get3A_263] {strides = array<i32>} : memref<3456xf32, #tpu.memory_space<vmem>>, vector<16xf32>,
    %get3A_265 = arith.constant 3280 : index
    %get3A_266 = tpu.vector_load %arg8[%get3A_265] {strides = array<i32>} : memref<3456xf32, #tpu.memory_space<vmem>>, vector<16xf32>,
    %add3A_267 = arith.addf %get3A_264, %get3A_266 : vector<16xf32>
    %get3A_268 = arith.constant 3344 : index
    %get3A_269 = tpu.vector_load %arg8[%get3A_268] {strides = array<i32>} : memref<3456xf32, #tpu.memory_space<vmem>>, vector<16xf32>,
    %add3A_270 = arith.addf %add3A_267, %get3A_269 : vector<16xf32>
    %swap3A_271 = arith.constant 8016 : index
    %swap3A_272 = tpu.vector_load %arg7[%swap3A_271] {strides = array<i32>} : memref<40896xf32, #tpu.memory_space<vmem>>, vector<16xf32>,
    tpu.vector_store %arg7[%swap3A_271], %add3A_270 {strides = array<i32>} : memref<40896xf32, #tpu.memory_space<vmem>>, vector<16xf32>,
    %get3A_273 = arith.constant 96 : index
    %get3A_274 = tpu.vector_load %arg8[%get3A_273] {strides = array<i32>} : memref<3456xf32, #tpu.memory_space<vmem>>, vector<16xf32>,
    %get3A_275 = arith.constant 3296 : index
    %get3A_276 = tpu.vector_load %arg8[%get3A_275] {strides = array<i32>} : memref<3456xf32, #tpu.memory_space<vmem>>, vector<16xf32>,
    %add3A_277 = arith.addf %get3A_274, %get3A_276 : vector<16xf32>
    %get3A_278 = arith.constant 3360 : index
    %get3A_279 = tpu.vector_load %arg8[%get3A_278] {strides = array<i32>} : memref<3456xf32, #tpu.memory_space<vmem>>, vector<16xf32>,
    %add3A_280 = arith.addf %add3A_277, %get3A_279 : vector<16xf32>
    %swap3A_281 = arith.constant 8032 : index
    %swap3A_282 = tpu.vector_load %arg7[%swap3A_281] {strides = array<i32>} : memref<40896xf32, #tpu.memory_space<vmem>>, vector<16xf32>,
    tpu.vector_store %arg7[%swap3A_281], %add3A_280 {strides = array<i32>} : memref<40896xf32, #tpu.memory_space<vmem>>, vector<16xf32>,
    %get3A_283 = arith.constant 112 : index
    %get3A_284 = tpu.vector_load %arg8[%get3A_283] {strides = array<i32>} : memref<3456xf32, #tpu.memory_space<vmem>>, vector<16xf32>,
    %get3A_285 = arith.constant 3312 : index
    %get3A_286 = tpu.vector_load %arg8[%get3A_285] {strides = array<i32>} : memref<3456xf32, #tpu.memory_space<vmem>>, vector<16xf32>,
    %add3A_287 = arith.addf %get3A_284, %get3A_286 : vector<16xf32>
    %get3A_288 = arith.constant 3376 : index
    %get3A_289 = tpu.vector_load %arg8[%get3A_288] {strides = array<i32>} : memref<3456xf32, #tpu.memory_space<vmem>>, vector<16xf32>,
    %add3A_290 = arith.addf %add3A_287, %get3A_289 : vector<16xf32>
    %swap3A_291 = arith.constant 8048 : index
    %swap3A_292 = tpu.vector_load %arg7[%swap3A_291] {strides = array<i32>} : memref<40896xf32, #tpu.memory_space<vmem>>, vector<16xf32>,
    tpu.vector_store %arg7[%swap3A_291], %add3A_290 {strides = array<i32>} : memref<40896xf32, #tpu.memory_space<vmem>>, vector<16xf32>,
    %get3A_293 = arith.constant 64 : index
    %get3A_294 = tpu.vector_load %arg8[%get3A_293] {strides = array<i32>} : memref<3456xf32, #tpu.memory_space<vmem>>, vector<16xf32>,
    %get3A_295 = arith.constant 3264 : index
    %get3A_296 = tpu.vector_load %arg8[%get3A_295] {strides = array<i32>} : memref<3456xf32, #tpu.memory_space<vmem>>, vector<16xf32>,
    %add3A_297 = arith.addf %get3A_294, %get3A_296 : vector<16xf32>
    %get3A_298 = arith.constant 3392 : index
    %get3A_299 = tpu.vector_load %arg8[%get3A_298] {strides = array<i32>} : memref<3456xf32, #tpu.memory_space<vmem>>, vector<16xf32>,
    %add3A_300 = arith.addf %add3A_297, %get3A_299 : vector<16xf32>
    %swap3A_301 = arith.constant 8064 : index
    %swap3A_302 = tpu.vector_load %arg7[%swap3A_301] {strides = array<i32>} : memref<40896xf32, #tpu.memory_space<vmem>>, vector<16xf32>,
    tpu.vector_store %arg7[%swap3A_301], %add3A_300 {strides = array<i32>} : memref<40896xf32, #tpu.memory_space<vmem>>, vector<16xf32>,
    %get3A_303 = arith.constant 80 : index
    %get3A_304 = tpu.vector_load %arg8[%get3A_303] {strides = array<i32>} : memref<3456xf32, #tpu.memory_space<vmem>>, vector<16xf32>,
    %get3A_305 = arith.constant 3280 : index
    %get3A_306 = tpu.vector_load %arg8[%get3A_305] {strides = array<i32>} : memref<3456xf32, #tpu.memory_space<vmem>>, vector<16xf32>,
    %add3A_307 = arith.addf %get3A_304, %get3A_306 : vector<16xf32>
    %get3A_308 = arith.constant 3408 : index
    %get3A_309 = tpu.vector_load %arg8[%get3A_308] {strides = array<i32>} : memref<3456xf32, #tpu.memory_space<vmem>>, vector<16xf32>,
    %add3A_310 = arith.addf %add3A_307, %get3A_309 : vector<16xf32>
    %swap3A_311 = arith.constant 8080 : index
    %swap3A_312 = tpu.vector_load %arg7[%swap3A_311] {strides = array<i32>} : memref<40896xf32, #tpu.memory_space<vmem>>, vector<16xf32>,
    tpu.vector_store %arg7[%swap3A_311], %add3A_310 {strides = array<i32>} : memref<40896xf32, #tpu.memory_space<vmem>>, vector<16xf32>,
    %get3A_313 = arith.constant 96 : index
    %get3A_314 = tpu.vector_load %arg8[%get3A_313] {strides = array<i32>} : memref<3456xf32, #tpu.memory_space<vmem>>, vector<16xf32>,
    %get3A_315 = arith.constant 3296 : index
    %get3A_316 = tpu.vector_load %arg8[%get3A_315] {strides = array<i32>} : memref<3456xf32, #tpu.memory_space<vmem>>, vector<16xf32>,
    %add3A_317 = arith.addf %get3A_314, %get3A_316 : vector<16xf32>
    %get3A_318 = arith.constant 3424 : index
    %get3A_319 = tpu.vector_load %arg8[%get3A_318] {strides = array<i32>} : memref<3456xf32, #tpu.memory_space<vmem>>, vector<16xf32>,
    %add3A_320 = arith.addf %add3A_317, %get3A_319 : vector<16xf32>
    %swap3A_321 = arith.constant 8096 : index
    %swap3A_322 = tpu.vector_load %arg7[%swap3A_321] {strides = array<i32>} : memref<40896xf32, #tpu.memory_space<vmem>>, vector<16xf32>,
    tpu.vector_store %arg7[%swap3A_321], %add3A_320 {strides = array<i32>} : memref<40896xf32, #tpu.memory_space<vmem>>, vector<16xf32>,
    %get3A_323 = arith.constant 112 : index
    %get3A_324 = tpu.vector_load %arg8[%get3A_323] {strides = array<i32>} : memref<3456xf32, #tpu.memory_space<vmem>>, vector<16xf32>,
    %get3A_325 = arith.constant 3312 : index
    %get3A_326 = tpu.vector_load %arg8[%get3A_325] {strides = array<i32>} : memref<3456xf32, #tpu.memory_space<vmem>>, vector<16xf32>,
    %add3A_327 = arith.addf %get3A_324, %get3A_326 : vector<16xf32>
    %get3A_328 = arith.constant 3440 : index
    %get3A_329 = tpu.vector_load %arg8[%get3A_328] {strides = array<i32>} : memref<3456xf32, #tpu.memory_space<vmem>>, vector<16xf32>,
    %add3A_330 = arith.addf %add3A_327, %get3A_329 : vector<16xf32>
    %swap3A_331 = arith.constant 8112 : index
    %swap3A_332 = tpu.vector_load %arg7[%swap3A_331] {strides = array<i32>} : memref<40896xf32, #tpu.memory_space<vmem>>, vector<16xf32>,
    tpu.vector_store %arg7[%swap3A_331], %add3A_330 {strides = array<i32>} : memref<40896xf32, #tpu.memory_space<vmem>>, vector<16xf32>,
    %get3A_333 = arith.constant 128 : index
    %get3A_334 = tpu.vector_load %arg8[%get3A_333] {strides = array<i32>} : memref<3456xf32, #tpu.memory_space<vmem>>, vector<16xf32>,
    %get3A_335 = arith.constant 3200 : index
    %get3A_336 = tpu.vector_load %arg8[%get3A_335] {strides = array<i32>} : memref<3456xf32, #tpu.memory_space<vmem>>, vector<16xf32>,
    %add3A_337 = arith.addf %get3A_334, %get3A_336 : vector<16xf32>
    %get3A_338 = arith.constant 3328 : index
    %get3A_339 = tpu.vector_load %arg8[%get3A_338] {strides = array<i32>} : memref<3456xf32, #tpu.memory_space<vmem>>, vector<16xf32>,
    %add3A_340 = arith.addf %add3A_337, %get3A_339 : vector<16xf32>
    %swap3A_341 = arith.constant 8128 : index
    %swap3A_342 = tpu.vector_load %arg7[%swap3A_341] {strides = array<i32>} : memref<40896xf32, #tpu.memory_space<vmem>>, vector<16xf32>,
    tpu.vector_store %arg7[%swap3A_341], %add3A_340 {strides = array<i32>} : memref<40896xf32, #tpu.memory_space<vmem>>, vector<16xf32>,
    %get3A_343 = arith.constant 144 : index
    %get3A_344 = tpu.vector_load %arg8[%get3A_343] {strides = array<i32>} : memref<3456xf32, #tpu.memory_space<vmem>>, vector<16xf32>,
    %get3A_345 = arith.constant 3216 : index
    %get3A_346 = tpu.vector_load %arg8[%get3A_345] {strides = array<i32>} : memref<3456xf32, #tpu.memory_space<vmem>>, vector<16xf32>,
    %add3A_347 = arith.addf %get3A_344, %get3A_346 : vector<16xf32>
    %get3A_348 = arith.constant 3344 : index
    %get3A_349 = tpu.vector_load %arg8[%get3A_348] {strides = array<i32>} : memref<3456xf32, #tpu.memory_space<vmem>>, vector<16xf32>,
    %add3A_350 = arith.addf %add3A_347, %get3A_349 : vector<16xf32>
    %swap3A_351 = arith.constant 8144 : index
    %swap3A_352 = tpu.vector_load %arg7[%swap3A_351] {strides = array<i32>} : memref<40896xf32, #tpu.memory_space<vmem>>, vector<16xf32>,
    tpu.vector_store %arg7[%swap3A_351], %add3A_350 {strides = array<i32>} : memref<40896xf32, #tpu.memory_space<vmem>>, vector<16xf32>,
    %get3A_353 = arith.constant 160 : index
    %get3A_354 = tpu.vector_load %arg8[%get3A_353] {strides = array<i32>} : memref<3456xf32, #tpu.memory_space<vmem>>, vector<16xf32>,
    %get3A_355 = arith.constant 3232 : index
    %get3A_356 = tpu.vector_load %arg8[%get3A_355] {strides = array<i32>} : memref<3456xf32, #tpu.memory_space<vmem>>, vector<16xf32>,
    %add3A_357 = arith.addf %get3A_354, %get3A_356 : vector<16xf32>
    %get3A_358 = arith.constant 3360 : index
    %get3A_359 = tpu.vector_load %arg8[%get3A_358] {strides = array<i32>} : memref<3456xf32, #tpu.memory_space<vmem>>, vector<16xf32>,
    %add3A_360 = arith.addf %add3A_357, %get3A_359 : vector<16xf32>
    %swap3A_361 = arith.constant 8160 : index
    %swap3A_362 = tpu.vector_load %arg7[%swap3A_361] {strides = array<i32>} : memref<40896xf32, #tpu.memory_space<vmem>>, vector<16xf32>,
    tpu.vector_store %arg7[%swap3A_361], %add3A_360 {strides = array<i32>} : memref<40896xf32, #tpu.memory_space<vmem>>, vector<16xf32>,
    %get3A_363 = arith.constant 176 : index
    %get3A_364 = tpu.vector_load %arg8[%get3A_363] {strides = array<i32>} : memref<3456xf32, #tpu.memory_space<vmem>>, vector<16xf32>,
    %get3A_365 = arith.constant 3248 : index
    %get3A_366 = tpu.vector_load %arg8[%get3A_365] {strides = array<i32>} : memref<3456xf32, #tpu.memory_space<vmem>>, vector<16xf32>,
    %add3A_367 = arith.addf %get3A_364, %get3A_366 : vector<16xf32>
    %get3A_368 = arith.constant 3376 : index
    %get3A_369 = tpu.vector_load %arg8[%get3A_368] {strides = array<i32>} : memref<3456xf32, #tpu.memory_space<vmem>>, vector<16xf32>,
    %add3A_370 = arith.addf %add3A_367, %get3A_369 : vector<16xf32>
    %swap3A_371 = arith.constant 8176 : index
    %swap3A_372 = tpu.vector_load %arg7[%swap3A_371] {strides = array<i32>} : memref<40896xf32, #tpu.memory_space<vmem>>, vector<16xf32>,
    tpu.vector_store %arg7[%swap3A_371], %add3A_370 {strides = array<i32>} : memref<40896xf32, #tpu.memory_space<vmem>>, vector<16xf32>,
    %get3A_373 = arith.constant 128 : index
    %get3A_374 = tpu.vector_load %arg8[%get3A_373] {strides = array<i32>} : memref<3456xf32, #tpu.memory_space<vmem>>, vector<16xf32>,
    %get3A_375 = arith.constant 3200 : index
    %get3A_376 = tpu.vector_load %arg8[%get3A_375] {strides = array<i32>} : memref<3456xf32, #tpu.memory_space<vmem>>, vector<16xf32>,
    %add3A_377 = arith.addf %get3A_374, %get3A_376 : vector<16xf32>
    %get3A_378 = arith.constant 3392 : index
    %get3A_379 = tpu.vector_load %arg8[%get3A_378] {strides = array<i32>} : memref<3456xf32, #tpu.memory_space<vmem>>, vector<16xf32>,
    %add3A_380 = arith.addf %add3A_377, %get3A_379 : vector<16xf32>
    %swap3A_381 = arith.constant 8192 : index
    %swap3A_382 = tpu.vector_load %arg7[%swap3A_381] {strides = array<i32>} : memref<40896xf32, #tpu.memory_space<vmem>>, vector<16xf32>,
    tpu.vector_store %arg7[%swap3A_381], %add3A_380 {strides = array<i32>} : memref<40896xf32, #tpu.memory_space<vmem>>, vector<16xf32>,
    %get3A_383 = arith.constant 144 : index
    %get3A_384 = tpu.vector_load %arg8[%get3A_383] {strides = array<i32>} : memref<3456xf32, #tpu.memory_space<vmem>>, vector<16xf32>,
    %get3A_385 = arith.constant 3216 : index
    %get3A_386 = tpu.vector_load %arg8[%get3A_385] {strides = array<i32>} : memref<3456xf32, #tpu.memory_space<vmem>>, vector<16xf32>,
    %add3A_387 = arith.addf %get3A_384, %get3A_386 : vector<16xf32>
    %get3A_388 = arith.constant 3408 : index
    %get3A_389 = tpu.vector_load %arg8[%get3A_388] {strides = array<i32>} : memref<3456xf32, #tpu.memory_space<vmem>>, vector<16xf32>,
    %add3A_390 = arith.addf %add3A_387, %get3A_389 : vector<16xf32>
    %swap3A_391 = arith.constant 8208 : index
    %swap3A_392 = tpu.vector_load %arg7[%swap3A_391] {strides = array<i32>} : memref<40896xf32, #tpu.memory_space<vmem>>, vector<16xf32>,
    tpu.vector_store %arg7[%swap3A_391], %add3A_390 {strides = array<i32>} : memref<40896xf32, #tpu.memory_space<vmem>>, vector<16xf32>,
    %get3A_393 = arith.constant 160 : index
    %get3A_394 = tpu.vector_load %arg8[%get3A_393] {strides = array<i32>} : memref<3456xf32, #tpu.memory_space<vmem>>, vector<16xf32>,
    %get3A_395 = arith.constant 3232 : index
    %get3A_396 = tpu.vector_load %arg8[%get3A_395] {strides = array<i32>} : memref<3456xf32, #tpu.memory_space<vmem>>, vector<16xf32>,
    %add3A_397 = arith.addf %get3A_394, %get3A_396 : vector<16xf32>
    %get3A_398 = arith.constant 3424 : index
    %get3A_399 = tpu.vector_load %arg8[%get3A_398] {strides = array<i32>} : memref<3456xf32, #tpu.memory_space<vmem>>, vector<16xf32>,
    %add3A_400 = arith.addf %add3A_397, %get3A_399 : vector<16xf32>
    %swap3A_401 = arith.constant 8224 : index
    %swap3A_402 = tpu.vector_load %arg7[%swap3A_401] {strides = array<i32>} : memref<40896xf32, #tpu.memory_space<vmem>>, vector<16xf32>,
    tpu.vector_store %arg7[%swap3A_401], %add3A_400 {strides = array<i32>} : memref<40896xf32, #tpu.memory_space<vmem>>, vector<16xf32>,
    %get3A_403 = arith.constant 176 : index
    %get3A_404 = tpu.vector_load %arg8[%get3A_403] {strides = array<i32>} : memref<3456xf32, #tpu.memory_space<vmem>>, vector<16xf32>,
    %get3A_405 = arith.constant 3248 : index
    %get3A_406 = tpu.vector_load %arg8[%get3A_405] {strides = array<i32>} : memref<3456xf32, #tpu.memory_space<vmem>>, vector<16xf32>,
    %add3A_407 = arith.addf %get3A_404, %get3A_406 : vector<16xf32>
    %get3A_408 = arith.constant 3440 : index
    %get3A_409 = tpu.vector_load %arg8[%get3A_408] {strides = array<i32>} : memref<3456xf32, #tpu.memory_space<vmem>>, vector<16xf32>,
    %add3A_410 = arith.addf %add3A_407, %get3A_409 : vector<16xf32>
    %swap3A_411 = arith.constant 8240 : index
    %swap3A_412 = tpu.vector_load %arg7[%swap3A_411] {strides = array<i32>} : memref<40896xf32, #tpu.memory_space<vmem>>, vector<16xf32>,
    tpu.vector_store %arg7[%swap3A_411], %add3A_410 {strides = array<i32>} : memref<40896xf32, #tpu.memory_space<vmem>>, vector<16xf32>,
    %get3A_413 = arith.constant 128 : index
    %get3A_414 = tpu.vector_load %arg8[%get3A_413] {strides = array<i32>} : memref<3456xf32, #tpu.memory_space<vmem>>, vector<16xf32>,
    %get3A_415 = arith.constant 3264 : index
    %get3A_416 = tpu.vector_load %arg8[%get3A_415] {strides = array<i32>} : memref<3456xf32, #tpu.memory_space<vmem>>, vector<16xf32>,
    %add3A_417 = arith.addf %get3A_414, %get3A_416 : vector<16xf32>
    %get3A_418 = arith.constant 3328 : index
    %get3A_419 = tpu.vector_load %arg8[%get3A_418] {strides = array<i32>} : memref<3456xf32, #tpu.memory_space<vmem>>, vector<16xf32>,
    %add3A_420 = arith.addf %add3A_417, %get3A_419 : vector<16xf32>
    %swap3A_421 = arith.constant 8256 : index
    %swap3A_422 = tpu.vector_load %arg7[%swap3A_421] {strides = array<i32>} : memref<40896xf32, #tpu.memory_space<vmem>>, vector<16xf32>,
    tpu.vector_store %arg7[%swap3A_421], %add3A_420 {strides = array<i32>} : memref<40896xf32, #tpu.memory_space<vmem>>, vector<16xf32>,
    %get3A_423 = arith.constant 144 : index
    %get3A_424 = tpu.vector_load %arg8[%get3A_423] {strides = array<i32>} : memref<3456xf32, #tpu.memory_space<vmem>>, vector<16xf32>,
    %get3A_425 = arith.constant 3280 : index
    %get3A_426 = tpu.vector_load %arg8[%get3A_425] {strides = array<i32>} : memref<3456xf32, #tpu.memory_space<vmem>>, vector<16xf32>,
    %add3A_427 = arith.addf %get3A_424, %get3A_426 : vector<16xf32>
    %get3A_428 = arith.constant 3344 : index
    %get3A_429 = tpu.vector_load %arg8[%get3A_428] {strides = array<i32>} : memref<3456xf32, #tpu.memory_space<vmem>>, vector<16xf32>,
    %add3A_430 = arith.addf %add3A_427, %get3A_429 : vector<16xf32>
    %swap3A_431 = arith.constant 8272 : index
    %swap3A_432 = tpu.vector_load %arg7[%swap3A_431] {strides = array<i32>} : memref<40896xf32, #tpu.memory_space<vmem>>, vector<16xf32>,
    tpu.vector_store %arg7[%swap3A_431], %add3A_430 {strides = array<i32>} : memref<40896xf32, #tpu.memory_space<vmem>>, vector<16xf32>,
    %get3A_433 = arith.constant 160 : index
    %get3A_434 = tpu.vector_load %arg8[%get3A_433] {strides = array<i32>} : memref<3456xf32, #tpu.memory_space<vmem>>, vector<16xf32>,
    %get3A_435 = arith.constant 3296 : index
    %get3A_436 = tpu.vector_load %arg8[%get3A_435] {strides = array<i32>} : memref<3456xf32, #tpu.memory_space<vmem>>, vector<16xf32>,
    %add3A_437 = arith.addf %get3A_434, %get3A_436 : vector<16xf32>
    %get3A_438 = arith.constant 3360 : index
    %get3A_439 = tpu.vector_load %arg8[%get3A_438] {strides = array<i32>} : memref<3456xf32, #tpu.memory_space<vmem>>, vector<16xf32>,
    %add3A_440 = arith.addf %add3A_437, %get3A_439 : vector<16xf32>
    %swap3A_441 = arith.constant 8288 : index
    %swap3A_442 = tpu.vector_load %arg7[%swap3A_441] {strides = array<i32>} : memref<40896xf32, #tpu.memory_space<vmem>>, vector<16xf32>,
    tpu.vector_store %arg7[%swap3A_441], %add3A_440 {strides = array<i32>} : memref<40896xf32, #tpu.memory_space<vmem>>, vector<16xf32>,
    %get3A_443 = arith.constant 176 : index
    %get3A_444 = tpu.vector_load %arg8[%get3A_443] {strides = array<i32>} : memref<3456xf32, #tpu.memory_space<vmem>>, vector<16xf32>,
    %get3A_445 = arith.constant 3312 : index
    %get3A_446 = tpu.vector_load %arg8[%get3A_445] {strides = array<i32>} : memref<3456xf32, #tpu.memory_space<vmem>>, vector<16xf32>,
    %add3A_447 = arith.addf %get3A_444, %get3A_446 : vector<16xf32>
    %get3A_448 = arith.constant 3376 : index
    %get3A_449 = tpu.vector_load %arg8[%get3A_448] {strides = array<i32>} : memref<3456xf32, #tpu.memory_space<vmem>>, vector<16xf32>,
    %add3A_450 = arith.addf %add3A_447, %get3A_449 : vector<16xf32>
    %swap3A_451 = arith.constant 8304 : index
    %swap3A_452 = tpu.vector_load %arg7[%swap3A_451] {strides = array<i32>} : memref<40896xf32, #tpu.memory_space<vmem>>, vector<16xf32>,
    tpu.vector_store %arg7[%swap3A_451], %add3A_450 {strides = array<i32>} : memref<40896xf32, #tpu.memory_space<vmem>>, vector<16xf32>,
    %get3A_453 = arith.constant 128 : index
    %get3A_454 = tpu.vector_load %arg8[%get3A_453] {strides = array<i32>} : memref<3456xf32, #tpu.memory_space<vmem>>, vector<16xf32>,
    %get3A_455 = arith.constant 3264 : index
    %get3A_456 = tpu.vector_load %arg8[%get3A_455] {strides = array<i32>} : memref<3456xf32, #tpu.memory_space<vmem>>, vector<16xf32>,
    %add3A_457 = arith.addf %get3A_454, %get3A_456 : vector<16xf32>
    %get3A_458 = arith.constant 3392 : index
    %get3A_459 = tpu.vector_load %arg8[%get3A_458] {strides = array<i32>} : memref<3456xf32, #tpu.memory_space<vmem>>, vector<16xf32>,
    %add3A_460 = arith.addf %add3A_457, %get3A_459 : vector<16xf32>
    %swap3A_461 = arith.constant 8320 : index
    %swap3A_462 = tpu.vector_load %arg7[%swap3A_461] {strides = array<i32>} : memref<40896xf32, #tpu.memory_space<vmem>>, vector<16xf32>,
    tpu.vector_store %arg7[%swap3A_461], %add3A_460 {strides = array<i32>} : memref<40896xf32, #tpu.memory_space<vmem>>, vector<16xf32>,
    %get3A_463 = arith.constant 144 : index
    %get3A_464 = tpu.vector_load %arg8[%get3A_463] {strides = array<i32>} : memref<3456xf32, #tpu.memory_space<vmem>>, vector<16xf32>,
    %get3A_465 = arith.constant 3280 : index
    %get3A_466 = tpu.vector_load %arg8[%get3A_465] {strides = array<i32>} : memref<3456xf32, #tpu.memory_space<vmem>>, vector<16xf32>,
    %add3A_467 = arith.addf %get3A_464, %get3A_466 : vector<16xf32>
    %get3A_468 = arith.constant 3408 : index
    %get3A_469 = tpu.vector_load %arg8[%get3A_468] {strides = array<i32>} : memref<3456xf32, #tpu.memory_space<vmem>>, vector<16xf32>,
    %add3A_470 = arith.addf %add3A_467, %get3A_469 : vector<16xf32>
    %swap3A_471 = arith.constant 8336 : index
    %swap3A_472 = tpu.vector_load %arg7[%swap3A_471] {strides = array<i32>} : memref<40896xf32, #tpu.memory_space<vmem>>, vector<16xf32>,
    tpu.vector_store %arg7[%swap3A_471], %add3A_470 {strides = array<i32>} : memref<40896xf32, #tpu.memory_space<vmem>>, vector<16xf32>,
    %get3A_473 = arith.constant 160 : index
    %get3A_474 = tpu.vector_load %arg8[%get3A_473] {strides = array<i32>} : memref<3456xf32, #tpu.memory_space<vmem>>, vector<16xf32>,
    %get3A_475 = arith.constant 3296 : index
    %get3A_476 = tpu.vector_load %arg8[%get3A_475] {strides = array<i32>} : memref<3456xf32, #tpu.memory_space<vmem>>, vector<16xf32>,
    %add3A_477 = arith.addf %get3A_474, %get3A_476 : vector<16xf32>
    %get3A_478 = arith.constant 3424 : index
    %get3A_479 = tpu.vector_load %arg8[%get3A_478] {strides = array<i32>} : memref<3456xf32, #tpu.memory_space<vmem>>, vector<16xf32>,
    %add3A_480 = arith.addf %add3A_477, %get3A_479 : vector<16xf32>
    %swap3A_481 = arith.constant 8352 : index
    %swap3A_482 = tpu.vector_load %arg7[%swap3A_481] {strides = array<i32>} : memref<40896xf32, #tpu.memory_space<vmem>>, vector<16xf32>,
    tpu.vector_store %arg7[%swap3A_481], %add3A_480 {strides = array<i32>} : memref<40896xf32, #tpu.memory_space<vmem>>, vector<16xf32>,
    %get3A_483 = arith.constant 176 : index
    %get3A_484 = tpu.vector_load %arg8[%get3A_483] {strides = array<i32>} : memref<3456xf32, #tpu.memory_space<vmem>>, vector<16xf32>,
    %get3A_485 = arith.constant 3312 : index
    %get3A_486 = tpu.vector_load %arg8[%get3A_485] {strides = array<i32>} : memref<3456xf32, #tpu.memory_space<vmem>>, vector<16xf32>,
    %add3A_487 = arith.addf %get3A_484, %get3A_486 : vector<16xf32>
    %get3A_488 = arith.constant 3440 : index
    %get3A_489 = tpu.vector_load %arg8[%get3A_488] {strides = array<i32>} : memref<3456xf32, #tpu.memory_space<vmem>>, vector<16xf32>,
    %add3A_490 = arith.addf %add3A_487, %get3A_489 : vector<16xf32>
    %swap3A_491 = arith.constant 8368 : index
    %swap3A_492 = tpu.vector_load %arg7[%swap3A_491] {strides = array<i32>} : memref<40896xf32, #tpu.memory_space<vmem>>, vector<16xf32>,
    tpu.vector_store %arg7[%swap3A_491], %add3A_490 {strides = array<i32>} : memref<40896xf32, #tpu.memory_space<vmem>>, vector<16xf32>,
    %get3A_493 = arith.constant 192 : index
    %get3A_494 = tpu.vector_load %arg8[%get3A_493] {strides = array<i32>} : memref<3456xf32, #tpu.memory_space<vmem>>, vector<16xf32>,
    %get3A_495 = arith.constant 3200 : index
    %get3A_496 = tpu.vector_load %arg8[%get3A_495] {strides = array<i32>} : memref<3456xf32, #tpu.memory_space<vmem>>, vector<16xf32>,
    %add3A_497 = arith.addf %get3A_494, %get3A_496 : vector<16xf32>
    %get3A_498 = arith.constant 3328 : index
    %get3A_499 = tpu.vector_load %arg8[%get3A_498] {strides = array<i32>} : memref<3456xf32, #tpu.memory_space<vmem>>, vector<16xf32>,
    %add3A_500 = arith.addf %add3A_497, %get3A_499 : vector<16xf32>
    %swap3A_501 = arith.constant 8384 : index
    %swap3A_502 = tpu.vector_load %arg7[%swap3A_501] {strides = array<i32>} : memref<40896xf32, #tpu.memory_space<vmem>>, vector<16xf32>,
    tpu.vector_store %arg7[%swap3A_501], %add3A_500 {strides = array<i32>} : memref<40896xf32, #tpu.memory_space<vmem>>, vector<16xf32>,
    %get3A_503 = arith.constant 208 : index
    %get3A_504 = tpu.vector_load %arg8[%get3A_503] {strides = array<i32>} : memref<3456xf32, #tpu.memory_space<vmem>>, vector<16xf32>,
    %get3A_505 = arith.constant 3216 : index
    %get3A_506 = tpu.vector_load %arg8[%get3A_505] {strides = array<i32>} : memref<3456xf32, #tpu.memory_space<vmem>>, vector<16xf32>,
    %add3A_507 = arith.addf %get3A_504, %get3A_506 : vector<16xf32>
    %get3A_508 = arith.constant 3344 : index
    %get3A_509 = tpu.vector_load %arg8[%get3A_508] {strides = array<i32>} : memref<3456xf32, #tpu.memory_space<vmem>>, vector<16xf32>,
    %add3A_510 = arith.addf %add3A_507, %get3A_509 : vector<16xf32>
    %swap3A_511 = arith.constant 8400 : index
    %swap3A_512 = tpu.vector_load %arg7[%swap3A_511] {strides = array<i32>} : memref<40896xf32, #tpu.memory_space<vmem>>, vector<16xf32>,
    tpu.vector_store %arg7[%swap3A_511], %add3A_510 {strides = array<i32>} : memref<40896xf32, #tpu.memory_space<vmem>>, vector<16xf32>,
    %get3A_513 = arith.constant 224 : index
    %get3A_514 = tpu.vector_load %arg8[%get3A_513] {strides = array<i32>} : memref<3456xf32, #tpu.memory_space<vmem>>, vector<16xf32>,
    %get3A_515 = arith.constant 3232 : index
    %get3A_516 = tpu.vector_load %arg8[%get3A_515] {strides = array<i32>} : memref<3456xf32, #tpu.memory_space<vmem>>, vector<16xf32>,
    %add3A_517 = arith.addf %get3A_514, %get3A_516 : vector<16xf32>
    %get3A_518 = arith.constant 3360 : index
    %get3A_519 = tpu.vector_load %arg8[%get3A_518] {strides = array<i32>} : memref<3456xf32, #tpu.memory_space<vmem>>, vector<16xf32>,
    %add3A_520 = arith.addf %add3A_517, %get3A_519 : vector<16xf32>
    %swap3A_521 = arith.constant 8416 : index
    %swap3A_522 = tpu.vector_load %arg7[%swap3A_521] {strides = array<i32>} : memref<40896xf32, #tpu.memory_space<vmem>>, vector<16xf32>,
    tpu.vector_store %arg7[%swap3A_521], %add3A_520 {strides = array<i32>} : memref<40896xf32, #tpu.memory_space<vmem>>, vector<16xf32>,
    %get3A_523 = arith.constant 240 : index
    %get3A_524 = tpu.vector_load %arg8[%get3A_523] {strides = array<i32>} : memref<3456xf32, #tpu.memory_space<vmem>>, vector<16xf32>,
    %get3A_525 = arith.constant 3248 : index
    %get3A_526 = tpu.vector_load %arg8[%get3A_525] {strides = array<i32>} : memref<3456xf32, #tpu.memory_space<vmem>>, vector<16xf32>,
    %add3A_527 = arith.addf %get3A_524, %get3A_526 : vector<16xf32>
    %get3A_528 = arith.constant 3376 : index
    %get3A_529 = tpu.vector_load %arg8[%get3A_528] {strides = array<i32>} : memref<3456xf32, #tpu.memory_space<vmem>>, vector<16xf32>,
    %add3A_530 = arith.addf %add3A_527, %get3A_529 : vector<16xf32>
    %swap3A_531 = arith.constant 8432 : index
    %swap3A_532 = tpu.vector_load %arg7[%swap3A_531] {strides = array<i32>} : memref<40896xf32, #tpu.memory_space<vmem>>, vector<16xf32>,
    tpu.vector_store %arg7[%swap3A_531], %add3A_530 {strides = array<i32>} : memref<40896xf32, #tpu.memory_space<vmem>>, vector<16xf32>,
    %get3A_533 = arith.constant 192 : index
    %get3A_534 = tpu.vector_load %arg8[%get3A_533] {strides = array<i32>} : memref<3456xf32, #tpu.memory_space<vmem>>, vector<16xf32>,
    %get3A_535 = arith.constant 3200 : index
    %get3A_536 = tpu.vector_load %arg8[%get3A_535] {strides = array<i32>} : memref<3456xf32, #tpu.memory_space<vmem>>, vector<16xf32>,
    %add3A_537 = arith.addf %get3A_534, %get3A_536 : vector<16xf32>
    %get3A_538 = arith.constant 3392 : index
    %get3A_539 = tpu.vector_load %arg8[%get3A_538] {strides = array<i32>} : memref<3456xf32, #tpu.memory_space<vmem>>, vector<16xf32>,
    %add3A_540 = arith.addf %add3A_537, %get3A_539 : vector<16xf32>
    %swap3A_541 = arith.constant 8448 : index
    %swap3A_542 = tpu.vector_load %arg7[%swap3A_541] {strides = array<i32>} : memref<40896xf32, #tpu.memory_space<vmem>>, vector<16xf32>,
    tpu.vector_store %arg7[%swap3A_541], %add3A_540 {strides = array<i32>} : memref<40896xf32, #tpu.memory_space<vmem>>, vector<16xf32>,
    %get3A_543 = arith.constant 208 : index
    %get3A_544 = tpu.vector_load %arg8[%get3A_543] {strides = array<i32>} : memref<3456xf32, #tpu.memory_space<vmem>>, vector<16xf32>,
    %get3A_545 = arith.constant 3216 : index
    %get3A_546 = tpu.vector_load %arg8[%get3A_545] {strides = array<i32>} : memref<3456xf32, #tpu.memory_space<vmem>>, vector<16xf32>,
    %add3A_547 = arith.addf %get3A_544, %get3A_546 : vector<16xf32>
    %get3A_548 = arith.constant 3408 : index
    %get3A_549 = tpu.vector_load %arg8[%get3A_548] {strides = array<i32>} : memref<3456xf32, #tpu.memory_space<vmem>>, vector<16xf32>,
    %add3A_550 = arith.addf %add3A_547, %get3A_549 : vector<16xf32>
    %swap3A_551 = arith.constant 8464 : index
    %swap3A_552 = tpu.vector_load %arg7[%swap3A_551] {strides = array<i32>} : memref<40896xf32, #tpu.memory_space<vmem>>, vector<16xf32>,
    tpu.vector_store %arg7[%swap3A_551], %add3A_550 {strides = array<i32>} : memref<40896xf32, #tpu.memory_space<vmem>>, vector<16xf32>,
    %get3A_553 = arith.constant 224 : index
    %get3A_554 = tpu.vector_load %arg8[%get3A_553] {strides = array<i32>} : memref<3456xf32, #tpu.memory_space<vmem>>, vector<16xf32>,
    %get3A_555 = arith.constant 3232 : index
    %get3A_556 = tpu.vector_load %arg8[%get3A_555] {strides = array<i32>} : memref<3456xf32, #tpu.memory_space<vmem>>, vector<16xf32>,
    %add3A_557 = arith.addf %get3A_554, %get3A_556 : vector<16xf32>
    %get3A_558 = arith.constant 3424 : index
    %get3A_559 = tpu.vector_load %arg8[%get3A_558] {strides = array<i32>} : memref<3456xf32, #tpu.memory_space<vmem>>, vector<16xf32>,
    %add3A_560 = arith.addf %add3A_557, %get3A_559 : vector<16xf32>
    %swap3A_561 = arith.constant 8480 : index
    %swap3A_562 = tpu.vector_load %arg7[%swap3A_561] {strides = array<i32>} : memref<40896xf32, #tpu.memory_space<vmem>>, vector<16xf32>,
    tpu.vector_store %arg7[%swap3A_561], %add3A_560 {strides = array<i32>} : memref<40896xf32, #tpu.memory_space<vmem>>, vector<16xf32>,
    %get3A_563 = arith.constant 240 : index
    %get3A_564 = tpu.vector_load %arg8[%get3A_563] {strides = array<i32>} : memref<3456xf32, #tpu.memory_space<vmem>>, vector<16xf32>,
    %get3A_565 = arith.constant 3248 : index
    %get3A_566 = tpu.vector_load %arg8[%get3A_565] {strides = array<i32>} : memref<3456xf32, #tpu.memory_space<vmem>>, vector<16xf32>,
    %add3A_567 = arith.addf %get3A_564, %get3A_566 : vector<16xf32>
    %get3A_568 = arith.constant 3440 : index
    %get3A_569 = tpu.vector_load %arg8[%get3A_568] {strides = array<i32>} : memref<3456xf32, #tpu.memory_space<vmem>>, vector<16xf32>,
    %add3A_570 = arith.addf %add3A_567, %get3A_569 : vector<16xf32>
    %swap3A_571 = arith.constant 8496 : index
    %swap3A_572 = tpu.vector_load %arg7[%swap3A_571] {strides = array<i32>} : memref<40896xf32, #tpu.memory_space<vmem>>, vector<16xf32>,
    tpu.vector_store %arg7[%swap3A_571], %add3A_570 {strides = array<i32>} : memref<40896xf32, #tpu.memory_space<vmem>>, vector<16xf32>,
    %get3A_573 = arith.constant 192 : index
    %get3A_574 = tpu.vector_load %arg8[%get3A_573] {strides = array<i32>} : memref<3456xf32, #tpu.memory_space<vmem>>, vector<16xf32>,
    %get3A_575 = arith.constant 3264 : index
    %get3A_576 = tpu.vector_load %arg8[%get3A_575] {strides = array<i32>} : memref<3456xf32, #tpu.memory_space<vmem>>, vector<16xf32>,
    %add3A_577 = arith.addf %get3A_574, %get3A_576 : vector<16xf32>
    %get3A_578 = arith.constant 3328 : index
    %get3A_579 = tpu.vector_load %arg8[%get3A_578] {strides = array<i32>} : memref<3456xf32, #tpu.memory_space<vmem>>, vector<16xf32>,
    %add3A_580 = arith.addf %add3A_577, %get3A_579 : vector<16xf32>
    %swap3A_581 = arith.constant 8512 : index
    %swap3A_582 = tpu.vector_load %arg7[%swap3A_581] {strides = array<i32>} : memref<40896xf32, #tpu.memory_space<vmem>>, vector<16xf32>,
    tpu.vector_store %arg7[%swap3A_581], %add3A_580 {strides = array<i32>} : memref<40896xf32, #tpu.memory_space<vmem>>, vector<16xf32>,
    %get3A_583 = arith.constant 208 : index
    %get3A_584 = tpu.vector_load %arg8[%get3A_583] {strides = array<i32>} : memref<3456xf32, #tpu.memory_space<vmem>>, vector<16xf32>,
    %get3A_585 = arith.constant 3280 : index
    %get3A_586 = tpu.vector_load %arg8[%get3A_585] {strides = array<i32>} : memref<3456xf32, #tpu.memory_space<vmem>>, vector<16xf32>,
    %add3A_587 = arith.addf %get3A_584, %get3A_586 : vector<16xf32>
    %get3A_588 = arith.constant 3344 : index
    %get3A_589 = tpu.vector_load %arg8[%get3A_588] {strides = array<i32>} : memref<3456xf32, #tpu.memory_space<vmem>>, vector<16xf32>,
    %add3A_590 = arith.addf %add3A_587, %get3A_589 : vector<16xf32>
    %swap3A_591 = arith.constant 8528 : index
    %swap3A_592 = tpu.vector_load %arg7[%swap3A_591] {strides = array<i32>} : memref<40896xf32, #tpu.memory_space<vmem>>, vector<16xf32>,
    tpu.vector_store %arg7[%swap3A_591], %add3A_590 {strides = array<i32>} : memref<40896xf32, #tpu.memory_space<vmem>>, vector<16xf32>,
    %get3A_593 = arith.constant 224 : index
    %get3A_594 = tpu.vector_load %arg8[%get3A_593] {strides = array<i32>} : memref<3456xf32, #tpu.memory_space<vmem>>, vector<16xf32>,
    %get3A_595 = arith.constant 3296 : index
    %get3A_596 = tpu.vector_load %arg8[%get3A_595] {strides = array<i32>} : memref<3456xf32, #tpu.memory_space<vmem>>, vector<16xf32>,
    %add3A_597 = arith.addf %get3A_594, %get3A_596 : vector<16xf32>
    %get3A_598 = arith.constant 3360 : index
    %get3A_599 = tpu.vector_load %arg8[%get3A_598] {strides = array<i32>} : memref<3456xf32, #tpu.memory_space<vmem>>, vector<16xf32>,
    %add3A_600 = arith.addf %add3A_597, %get3A_599 : vector<16xf32>
    %swap3A_601 = arith.constant 8544 : index
    %swap3A_602 = tpu.vector_load %arg7[%swap3A_601] {strides = array<i32>} : memref<40896xf32, #tpu.memory_space<vmem>>, vector<16xf32>,
    tpu.vector_store %arg7[%swap3A_601], %add3A_600 {strides = array<i32>} : memref<40896xf32, #tpu.memory_space<vmem>>, vector<16xf32>,
    %get3A_603 = arith.constant 240 : index
    %get3A_604 = tpu.vector_load %arg8[%get3A_603] {strides = array<i32>} : memref<3456xf32, #tpu.memory_space<vmem>>, vector<16xf32>,
    %get3A_605 = arith.constant 3312 : index
    %get3A_606 = tpu.vector_load %arg8[%get3A_605] {strides = array<i32>} : memref<3456xf32, #tpu.memory_space<vmem>>, vector<16xf32>,
    %add3A_607 = arith.addf %get3A_604, %get3A_606 : vector<16xf32>
    %get3A_608 = arith.constant 3376 : index
    %get3A_609 = tpu.vector_load %arg8[%get3A_608] {strides = array<i32>} : memref<3456xf32, #tpu.memory_space<vmem>>, vector<16xf32>,
    %add3A_610 = arith.addf %add3A_607, %get3A_609 : vector<16xf32>
    %swap3A_611 = arith.constant 8560 : index
    %swap3A_612 = tpu.vector_load %arg7[%swap3A_611] {strides = array<i32>} : memref<40896xf32, #tpu.memory_space<vmem>>, vector<16xf32>,
    tpu.vector_store %arg7[%swap3A_611], %add3A_610 {strides = array<i32>} : memref<40896xf32, #tpu.memory_space<vmem>>, vector<16xf32>,
    %get3A_613 = arith.constant 192 : index
    %get3A_614 = tpu.vector_load %arg8[%get3A_613] {strides = array<i32>} : memref<3456xf32, #tpu.memory_space<vmem>>, vector<16xf32>,
    %get3A_615 = arith.constant 3264 : index
    %get3A_616 = tpu.vector_load %arg8[%get3A_615] {strides = array<i32>} : memref<3456xf32, #tpu.memory_space<vmem>>, vector<16xf32>,
    %add3A_617 = arith.addf %get3A_614, %get3A_616 : vector<16xf32>
    %get3A_618 = arith.constant 3392 : index
    %get3A_619 = tpu.vector_load %arg8[%get3A_618] {strides = array<i32>} : memref<3456xf32, #tpu.memory_space<vmem>>, vector<16xf32>,
    %add3A_620 = arith.addf %add3A_617, %get3A_619 : vector<16xf32>
    %swap3A_621 = arith.constant 8576 : index
    %swap3A_622 = tpu.vector_load %arg7[%swap3A_621] {strides = array<i32>} : memref<40896xf32, #tpu.memory_space<vmem>>, vector<16xf32>,
    tpu.vector_store %arg7[%swap3A_621], %add3A_620 {strides = array<i32>} : memref<40896xf32, #tpu.memory_space<vmem>>, vector<16xf32>,
    %get3A_623 = arith.constant 208 : index
    %get3A_624 = tpu.vector_load %arg8[%get3A_623] {strides = array<i32>} : memref<3456xf32, #tpu.memory_space<vmem>>, vector<16xf32>,
    %get3A_625 = arith.constant 3280 : index
    %get3A_626 = tpu.vector_load %arg8[%get3A_625] {strides = array<i32>} : memref<3456xf32, #tpu.memory_space<vmem>>, vector<16xf32>,
    %add3A_627 = arith.addf %get3A_624, %get3A_626 : vector<16xf32>
    %get3A_628 = arith.constant 3408 : index
    %get3A_629 = tpu.vector_load %arg8[%get3A_628] {strides = array<i32>} : memref<3456xf32, #tpu.memory_space<vmem>>, vector<16xf32>,
    %add3A_630 = arith.addf %add3A_627, %get3A_629 : vector<16xf32>
    %swap3A_631 = arith.constant 8592 : index
    %swap3A_632 = tpu.vector_load %arg7[%swap3A_631] {strides = array<i32>} : memref<40896xf32, #tpu.memory_space<vmem>>, vector<16xf32>,
    tpu.vector_store %arg7[%swap3A_631], %add3A_630 {strides = array<i32>} : memref<40896xf32, #tpu.memory_space<vmem>>, vector<16xf32>,
    %get3A_633 = arith.constant 224 : index
    %get3A_634 = tpu.vector_load %arg8[%get3A_633] {strides = array<i32>} : memref<3456xf32, #tpu.memory_space<vmem>>, vector<16xf32>,
    %get3A_635 = arith.constant 3296 : index
    %get3A_636 = tpu.vector_load %arg8[%get3A_635] {strides = array<i32>} : memref<3456xf32, #tpu.memory_space<vmem>>, vector<16xf32>,
    %add3A_637 = arith.addf %get3A_634, %get3A_636 : vector<16xf32>
    %get3A_638 = arith.constant 3424 : index
    %get3A_639 = tpu.vector_load %arg8[%get3A_638] {strides = array<i32>} : memref<3456xf32, #tpu.memory_space<vmem>>, vector<16xf32>,
    %add3A_640 = arith.addf %add3A_637, %get3A_639 : vector<16xf32>
    %swap3A_641 = arith.constant 8608 : index
    %swap3A_642 = tpu.vector_load %arg7[%swap3A_641] {strides = array<i32>} : memref<40896xf32, #tpu.memory_space<vmem>>, vector<16xf32>,
    tpu.vector_store %arg7[%swap3A_641], %add3A_640 {strides = array<i32>} : memref<40896xf32, #tpu.memory_space<vmem>>, vector<16xf32>,
    %get3A_643 = arith.constant 240 : index
    %get3A_644 = tpu.vector_load %arg8[%get3A_643] {strides = array<i32>} : memref<3456xf32, #tpu.memory_space<vmem>>, vector<16xf32>,
    %get3A_645 = arith.constant 3312 : index
    %get3A_646 = tpu.vector_load %arg8[%get3A_645] {strides = array<i32>} : memref<3456xf32, #tpu.memory_space<vmem>>, vector<16xf32>,
    %add3A_647 = arith.addf %get3A_644, %get3A_646 : vector<16xf32>
    %get3A_648 = arith.constant 3440 : index
    %get3A_649 = tpu.vector_load %arg8[%get3A_648] {strides = array<i32>} : memref<3456xf32, #tpu.memory_space<vmem>>, vector<16xf32>,
    %add3A_650 = arith.addf %add3A_647, %get3A_649 : vector<16xf32>
    %swap3A_651 = arith.constant 8624 : index
    %swap3A_652 = tpu.vector_load %arg7[%swap3A_651] {strides = array<i32>} : memref<40896xf32, #tpu.memory_space<vmem>>, vector<16xf32>,
    tpu.vector_store %arg7[%swap3A_651], %add3A_650 {strides = array<i32>} : memref<40896xf32, #tpu.memory_space<vmem>>, vector<16xf32>,
    %scan3A = arith.constant 0 : i32
    %scan3A_653 = arith.constant 0 : i32
    %scan3A_654 = arith.constant 144 : i32
    %scan3A_655 = arith.addi %scan3A_653, %scan3A_654 : i32
    %scan3A_656 = arith.constant 1 : i32
    scf.for %scan3A_702 = %scan3A_653 to %scan3A_655 step %scan3A_656  : i32 {
      %jit3A_703 = arith.constant 12 : i32
      %div3A = arith.divsi %scan3A_702, %jit3A_703 : i32
      %sign3A = arith.constant 0 : i32
      %sign3A_704 = arith.cmpi sgt, %scan3A_702, %sign3A : i32
      %sign3A_705 = arith.extui %sign3A_704 : i1 to i32
      %sign3A_706 = arith.constant 0 : i32
      %sign3A_707 = arith.cmpi slt, %scan3A_702, %sign3A_706 : i32
      %sign3A_708 = arith.extui %sign3A_707 : i1 to i32
      %sign3A_709 = arith.subi %sign3A_705, %sign3A_708 : i32
      %sign3A_710 = arith.constant 0 : i32
      %sign3A_711 = arith.cmpi sgt, %jit3A_703, %sign3A_710 : i32
      %sign3A_712 = arith.extui %sign3A_711 : i1 to i32
      %sign3A_713 = arith.constant 0 : i32
      %sign3A_714 = arith.cmpi slt, %jit3A_703, %sign3A_713 : i32
      %sign3A_715 = arith.extui %sign3A_714 : i1 to i32
      %sign3A_716 = arith.subi %sign3A_712, %sign3A_715 : i32
      %ne3A = arith.cmpi ne, %sign3A_709, %sign3A_716 : i32
      %rem3A = arith.remsi %scan3A_702, %jit3A_703 : i32
      %ne3A_717 = arith.constant 0 : i32
      %ne3A_718 = arith.cmpi ne, %rem3A, %ne3A_717 : i32
      %and3A = arith.andi %ne3A, %ne3A_718 : i1
      %sub3A = arith.constant 1 : i32
      %sub3A_719 = arith.subi %div3A, %sub3A : i32
      %select_n3A_720 = arith.select %and3A, %sub3A_719, %div3A : i32
      %mul3A_721 = arith.constant 12 : i32
      %mul3A_722 = arith.muli %select_n3A_720, %mul3A_721 : i32
      %sub3A_723 = arith.subi %scan3A_702, %mul3A_722 : i32
      %add3A_724 = arith.constant 4 : i32
      %add3A_725 = arith.addi %add3A_724, %select_n3A_720 : i32
      %mul3A_726 = arith.constant 64 : i32
      %mul3A_727 = arith.muli %add3A_725, %mul3A_726 : i32
      %add3A_728 = arith.constant 0 : i32
      %add3A_729 = arith.addi %mul3A_727, %add3A_728 : i32
      %get3A_730 = arith.index_cast %add3A_729 : i32 to index
      %get3A_731 = tpu.vector_load %arg8[%get3A_730] {strides = array<i32>} : memref<3456xf32, #tpu.memory_space<vmem>>, vector<16xf32>,
      %add3A_732 = arith.constant 16 : i32
      %add3A_733 = arith.addi %add3A_732, %sub3A_723 : i32
      %mul3A_734 = arith.constant 64 : i32
      %mul3A_735 = arith.muli %add3A_733, %mul3A_734 : i32
      %add3A_736 = arith.constant 0 : i32
      %add3A_737 = arith.addi %mul3A_735, %add3A_736 : i32
      %get3A_738 = arith.index_cast %add3A_737 : i32 to index
      %get3A_739 = tpu.vector_load %arg8[%get3A_738] {strides = array<i32>} : memref<3456xf32, #tpu.memory_space<vmem>>, vector<16xf32>,
      %add3A_740 = arith.addf %get3A_731, %get3A_739 : vector<16xf32>
      %add3A_741 = arith.constant 135 : i32
      %add3A_742 = arith.addi %add3A_741, %scan3A_702 : i32
      %mul3A_743 = arith.constant 64 : i32
      %mul3A_744 = arith.muli %add3A_742, %mul3A_743 : i32
      %add3A_745 = arith.constant 0 : i32
      %add3A_746 = arith.addi %mul3A_744, %add3A_745 : i32
      %swap3A_747 = arith.index_cast %add3A_746 : i32 to index
      %swap3A_748 = tpu.vector_load %arg7[%swap3A_747] {strides = array<i32>} : memref<40896xf32, #tpu.memory_space<vmem>>, vector<16xf32>,
      tpu.vector_store %arg7[%swap3A_747], %add3A_740 {strides = array<i32>} : memref<40896xf32, #tpu.memory_space<vmem>>, vector<16xf32>,
      %add3A_749 = arith.constant 4 : i32
      %add3A_750 = arith.addi %add3A_749, %select_n3A_720 : i32
      %mul3A_751 = arith.constant 64 : i32
      %mul3A_752 = arith.muli %add3A_750, %mul3A_751 : i32
      %add3A_753 = arith.constant 16 : i32
      %add3A_754 = arith.addi %mul3A_752, %add3A_753 : i32
      %get3A_755 = arith.index_cast %add3A_754 : i32 to index
      %get3A_756 = tpu.vector_load %arg8[%get3A_755] {strides = array<i32>} : memref<3456xf32, #tpu.memory_space<vmem>>, vector<16xf32>,
      %add3A_757 = arith.constant 16 : i32
      %add3A_758 = arith.addi %add3A_757, %sub3A_723 : i32
      %mul3A_759 = arith.constant 64 : i32
      %mul3A_760 = arith.muli %add3A_758, %mul3A_759 : i32
      %add3A_761 = arith.constant 16 : i32
      %add3A_762 = arith.addi %mul3A_760, %add3A_761 : i32
      %get3A_763 = arith.index_cast %add3A_762 : i32 to index
      %get3A_764 = tpu.vector_load %arg8[%get3A_763] {strides = array<i32>} : memref<3456xf32, #tpu.memory_space<vmem>>, vector<16xf32>,
      %add3A_765 = arith.addf %get3A_756, %get3A_764 : vector<16xf32>
      %add3A_766 = arith.constant 135 : i32
      %add3A_767 = arith.addi %add3A_766, %scan3A_702 : i32
      %mul3A_768 = arith.constant 64 : i32
      %mul3A_769 = arith.muli %add3A_767, %mul3A_768 : i32
      %add3A_770 = arith.constant 16 : i32
      %add3A_771 = arith.addi %mul3A_769, %add3A_770 : i32
      %swap3A_772 = arith.index_cast %add3A_771 : i32 to index
      %swap3A_773 = tpu.vector_load %arg7[%swap3A_772] {strides = array<i32>} : memref<40896xf32, #tpu.memory_space<vmem>>, vector<16xf32>,
      tpu.vector_store %arg7[%swap3A_772], %add3A_765 {strides = array<i32>} : memref<40896xf32, #tpu.memory_space<vmem>>, vector<16xf32>,
      %add3A_774 = arith.constant 4 : i32
      %add3A_775 = arith.addi %add3A_774, %select_n3A_720 : i32
      %mul3A_776 = arith.constant 64 : i32
      %mul3A_777 = arith.muli %add3A_775, %mul3A_776 : i32
      %add3A_778 = arith.constant 32 : i32
      %add3A_779 = arith.addi %mul3A_777, %add3A_778 : i32
      %get3A_780 = arith.index_cast %add3A_779 : i32 to index
      %get3A_781 = tpu.vector_load %arg8[%get3A_780] {strides = array<i32>} : memref<3456xf32, #tpu.memory_space<vmem>>, vector<16xf32>,
      %add3A_782 = arith.constant 16 : i32
      %add3A_783 = arith.addi %add3A_782, %sub3A_723 : i32
      %mul3A_784 = arith.constant 64 : i32
      %mul3A_785 = arith.muli %add3A_783, %mul3A_784 : i32
      %add3A_786 = arith.constant 32 : i32
      %add3A_787 = arith.addi %mul3A_785, %add3A_786 : i32
      %get3A_788 = arith.index_cast %add3A_787 : i32 to index
      %get3A_789 = tpu.vector_load %arg8[%get3A_788] {strides = array<i32>} : memref<3456xf32, #tpu.memory_space<vmem>>, vector<16xf32>,
      %add3A_790 = arith.addf %get3A_781, %get3A_789 : vector<16xf32>
      %add3A_791 = arith.constant 135 : i32
      %add3A_792 = arith.addi %add3A_791, %scan3A_702 : i32
      %mul3A_793 = arith.constant 64 : i32
      %mul3A_794 = arith.muli %add3A_792, %mul3A_793 : i32
      %add3A_795 = arith.constant 32 : i32
      %add3A_796 = arith.addi %mul3A_794, %add3A_795 : i32
      %swap3A_797 = arith.index_cast %add3A_796 : i32 to index
      %swap3A_798 = tpu.vector_load %arg7[%swap3A_797] {strides = array<i32>} : memref<40896xf32, #tpu.memory_space<vmem>>, vector<16xf32>,
      tpu.vector_store %arg7[%swap3A_797], %add3A_790 {strides = array<i32>} : memref<40896xf32, #tpu.memory_space<vmem>>, vector<16xf32>,
      %add3A_799 = arith.constant 4 : i32
      %add3A_800 = arith.addi %add3A_799, %select_n3A_720 : i32
      %mul3A_801 = arith.constant 64 : i32
      %mul3A_802 = arith.muli %add3A_800, %mul3A_801 : i32
      %add3A_803 = arith.constant 48 : i32
      %add3A_804 = arith.addi %mul3A_802, %add3A_803 : i32
      %get3A_805 = arith.index_cast %add3A_804 : i32 to index
      %get3A_806 = tpu.vector_load %arg8[%get3A_805] {strides = array<i32>} : memref<3456xf32, #tpu.memory_space<vmem>>, vector<16xf32>,
      %add3A_807 = arith.constant 16 : i32
      %add3A_808 = arith.addi %add3A_807, %sub3A_723 : i32
      %mul3A_809 = arith.constant 64 : i32
      %mul3A_810 = arith.muli %add3A_808, %mul3A_809 : i32
      %add3A_811 = arith.constant 48 : i32
      %add3A_812 = arith.addi %mul3A_810, %add3A_811 : i32
      %get3A_813 = arith.index_cast %add3A_812 : i32 to index
      %get3A_814 = tpu.vector_load %arg8[%get3A_813] {strides = array<i32>} : memref<3456xf32, #tpu.memory_space<vmem>>, vector<16xf32>,
      %add3A_815 = arith.addf %get3A_806, %get3A_814 : vector<16xf32>
      %add3A_816 = arith.constant 135 : i32
      %add3A_817 = arith.addi %add3A_816, %scan3A_702 : i32
      %mul3A_818 = arith.constant 64 : i32
      %mul3A_819 = arith.muli %add3A_817, %mul3A_818 : i32
      %add3A_820 = arith.constant 48 : i32
      %add3A_821 = arith.addi %mul3A_819, %add3A_820 : i32
      %swap3A_822 = arith.index_cast %add3A_821 : i32 to index
      %swap3A_823 = tpu.vector_load %arg7[%swap3A_822] {strides = array<i32>} : memref<40896xf32, #tpu.memory_space<vmem>>, vector<16xf32>,
      tpu.vector_store %arg7[%swap3A_822], %add3A_815 {strides = array<i32>} : memref<40896xf32, #tpu.memory_space<vmem>>, vector<16xf32>,
    }
    %scan3A_657 = arith.constant 144 : i32
    %scan3A_658 = arith.constant 0 : i32
    %scan3A_659 = arith.constant 0 : i32
    %scan3A_660 = arith.constant 360 : i32
    %scan3A_661 = arith.addi %scan3A_659, %scan3A_660 : i32
    %scan3A_662 = arith.constant 1 : i32
    scf.for %scan3A_702 = %scan3A_659 to %scan3A_661 step %scan3A_662  : i32 {
      %jit3A_703 = arith.constant 36 : i32
      %div3A = arith.divsi %scan3A_702, %jit3A_703 : i32
      %sign3A = arith.constant 0 : i32
      %sign3A_704 = arith.cmpi sgt, %scan3A_702, %sign3A : i32
      %sign3A_705 = arith.extui %sign3A_704 : i1 to i32
      %sign3A_706 = arith.constant 0 : i32
      %sign3A_707 = arith.cmpi slt, %scan3A_702, %sign3A_706 : i32
      %sign3A_708 = arith.extui %sign3A_707 : i1 to i32
      %sign3A_709 = arith.subi %sign3A_705, %sign3A_708 : i32
      %sign3A_710 = arith.constant 0 : i32
      %sign3A_711 = arith.cmpi sgt, %jit3A_703, %sign3A_710 : i32
      %sign3A_712 = arith.extui %sign3A_711 : i1 to i32
      %sign3A_713 = arith.constant 0 : i32
      %sign3A_714 = arith.cmpi slt, %jit3A_703, %sign3A_713 : i32
      %sign3A_715 = arith.extui %sign3A_714 : i1 to i32
      %sign3A_716 = arith.subi %sign3A_712, %sign3A_715 : i32
      %ne3A = arith.cmpi ne, %sign3A_709, %sign3A_716 : i32
      %rem3A = arith.remsi %scan3A_702, %jit3A_703 : i32
      %ne3A_717 = arith.constant 0 : i32
      %ne3A_718 = arith.cmpi ne, %rem3A, %ne3A_717 : i32
      %and3A = arith.andi %ne3A, %ne3A_718 : i1
      %sub3A = arith.constant 1 : i32
      %sub3A_719 = arith.subi %div3A, %sub3A : i32
      %select_n3A_720 = arith.select %and3A, %sub3A_719, %div3A : i32
      %mul3A_721 = arith.constant 36 : i32
      %mul3A_722 = arith.muli %select_n3A_720, %mul3A_721 : i32
      %sub3A_723 = arith.subi %scan3A_702, %mul3A_722 : i32
      %jit3A_724 = arith.constant 6 : i32
      %div3A_725 = arith.divsi %sub3A_723, %jit3A_724 : i32
      %sign3A_726 = arith.constant 0 : i32
      %sign3A_727 = arith.cmpi sgt, %sub3A_723, %sign3A_726 : i32
      %sign3A_728 = arith.extui %sign3A_727 : i1 to i32
      %sign3A_729 = arith.constant 0 : i32
      %sign3A_730 = arith.cmpi slt, %sub3A_723, %sign3A_729 : i32
      %sign3A_731 = arith.extui %sign3A_730 : i1 to i32
      %sign3A_732 = arith.subi %sign3A_728, %sign3A_731 : i32
      %sign3A_733 = arith.constant 0 : i32
      %sign3A_734 = arith.cmpi sgt, %jit3A_724, %sign3A_733 : i32
      %sign3A_735 = arith.extui %sign3A_734 : i1 to i32
      %sign3A_736 = arith.constant 0 : i32
      %sign3A_737 = arith.cmpi slt, %jit3A_724, %sign3A_736 : i32
      %sign3A_738 = arith.extui %sign3A_737 : i1 to i32
      %sign3A_739 = arith.subi %sign3A_735, %sign3A_738 : i32
      %ne3A_740 = arith.cmpi ne, %sign3A_732, %sign3A_739 : i32
      %rem3A_741 = arith.remsi %sub3A_723, %jit3A_724 : i32
      %ne3A_742 = arith.constant 0 : i32
      %ne3A_743 = arith.cmpi ne, %rem3A_741, %ne3A_742 : i32
      %and3A_744 = arith.andi %ne3A_740, %ne3A_743 : i1
      %sub3A_745 = arith.constant 1 : i32
      %sub3A_746 = arith.subi %div3A_725, %sub3A_745 : i32
      %select_n3A_747 = arith.select %and3A_744, %sub3A_746, %div3A_725 : i32
      %mul3A_748 = arith.constant 6 : i32
      %mul3A_749 = arith.muli %select_n3A_747, %mul3A_748 : i32
      %sub3A_750 = arith.subi %sub3A_723, %mul3A_749 : i32
      %add3A_751 = arith.constant 28 : i32
      %add3A_752 = arith.addi %add3A_751, %select_n3A_720 : i32
      %mul3A_753 = arith.constant 64 : i32
      %mul3A_754 = arith.muli %add3A_752, %mul3A_753 : i32
      %add3A_755 = arith.constant 0 : i32
      %add3A_756 = arith.addi %mul3A_754, %add3A_755 : i32
      %get3A_757 = arith.index_cast %add3A_756 : i32 to index
      %get3A_758 = tpu.vector_load %arg8[%get3A_757] {strides = array<i32>} : memref<3456xf32, #tpu.memory_space<vmem>>, vector<16xf32>,
      %add3A_759 = arith.constant 38 : i32
      %add3A_760 = arith.addi %add3A_759, %select_n3A_747 : i32
      %mul3A_761 = arith.constant 64 : i32
      %mul3A_762 = arith.muli %add3A_760, %mul3A_761 : i32
      %add3A_763 = arith.constant 0 : i32
      %add3A_764 = arith.addi %mul3A_762, %add3A_763 : i32
      %get3A_765 = arith.index_cast %add3A_764 : i32 to index
      %get3A_766 = tpu.vector_load %arg8[%get3A_765] {strides = array<i32>} : memref<3456xf32, #tpu.memory_space<vmem>>, vector<16xf32>,
      %add3A_767 = arith.addf %get3A_758, %get3A_766 : vector<16xf32>
      %add3A_768 = arith.constant 44 : i32
      %add3A_769 = arith.addi %add3A_768, %sub3A_750 : i32
      %mul3A_770 = arith.constant 64 : i32
      %mul3A_771 = arith.muli %add3A_769, %mul3A_770 : i32
      %add3A_772 = arith.constant 0 : i32
      %add3A_773 = arith.addi %mul3A_771, %add3A_772 : i32
      %get3A_774 = arith.index_cast %add3A_773 : i32 to index
      %get3A_775 = tpu.vector_load %arg8[%get3A_774] {strides = array<i32>} : memref<3456xf32, #tpu.memory_space<vmem>>, vector<16xf32>,
      %add3A_776 = arith.addf %add3A_767, %get3A_775 : vector<16xf32>
      %add3A_777 = arith.constant 279 : i32
      %add3A_778 = arith.addi %add3A_777, %scan3A_702 : i32
      %mul3A_779 = arith.constant 64 : i32
      %mul3A_780 = arith.muli %add3A_778, %mul3A_779 : i32
      %add3A_781 = arith.constant 0 : i32
      %add3A_782 = arith.addi %mul3A_780, %add3A_781 : i32
      %swap3A_783 = arith.index_cast %add3A_782 : i32 to index
      %swap3A_784 = tpu.vector_load %arg7[%swap3A_783] {strides = array<i32>} : memref<40896xf32, #tpu.memory_space<vmem>>, vector<16xf32>,
      tpu.vector_store %arg7[%swap3A_783], %add3A_776 {strides = array<i32>} : memref<40896xf32, #tpu.memory_space<vmem>>, vector<16xf32>,
      %add3A_785 = arith.constant 28 : i32
      %add3A_786 = arith.addi %add3A_785, %select_n3A_720 : i32
      %mul3A_787 = arith.constant 64 : i32
      %mul3A_788 = arith.muli %add3A_786, %mul3A_787 : i32
      %add3A_789 = arith.constant 16 : i32
      %add3A_790 = arith.addi %mul3A_788, %add3A_789 : i32
      %get3A_791 = arith.index_cast %add3A_790 : i32 to index
      %get3A_792 = tpu.vector_load %arg8[%get3A_791] {strides = array<i32>} : memref<3456xf32, #tpu.memory_space<vmem>>, vector<16xf32>,
      %add3A_793 = arith.constant 38 : i32
      %add3A_794 = arith.addi %add3A_793, %select_n3A_747 : i32
      %mul3A_795 = arith.constant 64 : i32
      %mul3A_796 = arith.muli %add3A_794, %mul3A_795 : i32
      %add3A_797 = arith.constant 16 : i32
      %add3A_798 = arith.addi %mul3A_796, %add3A_797 : i32
      %get3A_799 = arith.index_cast %add3A_798 : i32 to index
      %get3A_800 = tpu.vector_load %arg8[%get3A_799] {strides = array<i32>} : memref<3456xf32, #tpu.memory_space<vmem>>, vector<16xf32>,
      %add3A_801 = arith.addf %get3A_792, %get3A_800 : vector<16xf32>
      %add3A_802 = arith.constant 44 : i32
      %add3A_803 = arith.addi %add3A_802, %sub3A_750 : i32
      %mul3A_804 = arith.constant 64 : i32
      %mul3A_805 = arith.muli %add3A_803, %mul3A_804 : i32
      %add3A_806 = arith.constant 16 : i32
      %add3A_807 = arith.addi %mul3A_805, %add3A_806 : i32
      %get3A_808 = arith.index_cast %add3A_807 : i32 to index
      %get3A_809 = tpu.vector_load %arg8[%get3A_808] {strides = array<i32>} : memref<3456xf32, #tpu.memory_space<vmem>>, vector<16xf32>,
      %add3A_810 = arith.addf %add3A_801, %get3A_809 : vector<16xf32>
      %add3A_811 = arith.constant 279 : i32
      %add3A_812 = arith.addi %add3A_811, %scan3A_702 : i32
      %mul3A_813 = arith.constant 64 : i32
      %mul3A_814 = arith.muli %add3A_812, %mul3A_813 : i32
      %add3A_815 = arith.constant 16 : i32
      %add3A_816 = arith.addi %mul3A_814, %add3A_815 : i32
      %swap3A_817 = arith.index_cast %add3A_816 : i32 to index
      %swap3A_818 = tpu.vector_load %arg7[%swap3A_817] {strides = array<i32>} : memref<40896xf32, #tpu.memory_space<vmem>>, vector<16xf32>,
      tpu.vector_store %arg7[%swap3A_817], %add3A_810 {strides = array<i32>} : memref<40896xf32, #tpu.memory_space<vmem>>, vector<16xf32>,
      %add3A_819 = arith.constant 28 : i32
      %add3A_820 = arith.addi %add3A_819, %select_n3A_720 : i32
      %mul3A_821 = arith.constant 64 : i32
      %mul3A_822 = arith.muli %add3A_820, %mul3A_821 : i32
      %add3A_823 = arith.constant 32 : i32
      %add3A_824 = arith.addi %mul3A_822, %add3A_823 : i32
      %get3A_825 = arith.index_cast %add3A_824 : i32 to index
      %get3A_826 = tpu.vector_load %arg8[%get3A_825] {strides = array<i32>} : memref<3456xf32, #tpu.memory_space<vmem>>, vector<16xf32>,
      %add3A_827 = arith.constant 38 : i32
      %add3A_828 = arith.addi %add3A_827, %select_n3A_747 : i32
      %mul3A_829 = arith.constant 64 : i32
      %mul3A_830 = arith.muli %add3A_828, %mul3A_829 : i32
      %add3A_831 = arith.constant 32 : i32
      %add3A_832 = arith.addi %mul3A_830, %add3A_831 : i32
      %get3A_833 = arith.index_cast %add3A_832 : i32 to index
      %get3A_834 = tpu.vector_load %arg8[%get3A_833] {strides = array<i32>} : memref<3456xf32, #tpu.memory_space<vmem>>, vector<16xf32>,
      %add3A_835 = arith.addf %get3A_826, %get3A_834 : vector<16xf32>
      %add3A_836 = arith.constant 44 : i32
      %add3A_837 = arith.addi %add3A_836, %sub3A_750 : i32
      %mul3A_838 = arith.constant 64 : i32
      %mul3A_839 = arith.muli %add3A_837, %mul3A_838 : i32
      %add3A_840 = arith.constant 32 : i32
      %add3A_841 = arith.addi %mul3A_839, %add3A_840 : i32
      %get3A_842 = arith.index_cast %add3A_841 : i32 to index
      %get3A_843 = tpu.vector_load %arg8[%get3A_842] {strides = array<i32>} : memref<3456xf32, #tpu.memory_space<vmem>>, vector<16xf32>,
      %add3A_844 = arith.addf %add3A_835, %get3A_843 : vector<16xf32>
      %add3A_845 = arith.constant 279 : i32
      %add3A_846 = arith.addi %add3A_845, %scan3A_702 : i32
      %mul3A_847 = arith.constant 64 : i32
      %mul3A_848 = arith.muli %add3A_846, %mul3A_847 : i32
      %add3A_849 = arith.constant 32 : i32
      %add3A_850 = arith.addi %mul3A_848, %add3A_849 : i32
      %swap3A_851 = arith.index_cast %add3A_850 : i32 to index
      %swap3A_852 = tpu.vector_load %arg7[%swap3A_851] {strides = array<i32>} : memref<40896xf32, #tpu.memory_space<vmem>>, vector<16xf32>,
      tpu.vector_store %arg7[%swap3A_851], %add3A_844 {strides = array<i32>} : memref<40896xf32, #tpu.memory_space<vmem>>, vector<16xf32>,
      %add3A_853 = arith.constant 28 : i32
      %add3A_854 = arith.addi %add3A_853, %select_n3A_720 : i32
      %mul3A_855 = arith.constant 64 : i32
      %mul3A_856 = arith.muli %add3A_854, %mul3A_855 : i32
      %add3A_857 = arith.constant 48 : i32
      %add3A_858 = arith.addi %mul3A_856, %add3A_857 : i32
      %get3A_859 = arith.index_cast %add3A_858 : i32 to index
      %get3A_860 = tpu.vector_load %arg8[%get3A_859] {strides = array<i32>} : memref<3456xf32, #tpu.memory_space<vmem>>, vector<16xf32>,
      %add3A_861 = arith.constant 38 : i32
      %add3A_862 = arith.addi %add3A_861, %select_n3A_747 : i32
      %mul3A_863 = arith.constant 64 : i32
      %mul3A_864 = arith.muli %add3A_862, %mul3A_863 : i32
      %add3A_865 = arith.constant 48 : i32
      %add3A_866 = arith.addi %mul3A_864, %add3A_865 : i32
      %get3A_867 = arith.index_cast %add3A_866 : i32 to index
      %get3A_868 = tpu.vector_load %arg8[%get3A_867] {strides = array<i32>} : memref<3456xf32, #tpu.memory_space<vmem>>, vector<16xf32>,
      %add3A_869 = arith.addf %get3A_860, %get3A_868 : vector<16xf32>
      %add3A_870 = arith.constant 44 : i32
      %add3A_871 = arith.addi %add3A_870, %sub3A_750 : i32
      %mul3A_872 = arith.constant 64 : i32
      %mul3A_873 = arith.muli %add3A_871, %mul3A_872 : i32
      %add3A_874 = arith.constant 48 : i32
      %add3A_875 = arith.addi %mul3A_873, %add3A_874 : i32
      %get3A_876 = arith.index_cast %add3A_875 : i32 to index
      %get3A_877 = tpu.vector_load %arg8[%get3A_876] {strides = array<i32>} : memref<3456xf32, #tpu.memory_space<vmem>>, vector<16xf32>,
      %add3A_878 = arith.addf %add3A_869, %get3A_877 : vector<16xf32>
      %add3A_879 = arith.constant 279 : i32
      %add3A_880 = arith.addi %add3A_879, %scan3A_702 : i32
      %mul3A_881 = arith.constant 64 : i32
      %mul3A_882 = arith.muli %add3A_880, %mul3A_881 : i32
      %add3A_883 = arith.constant 48 : i32
      %add3A_884 = arith.addi %mul3A_882, %add3A_883 : i32
      %swap3A_885 = arith.index_cast %add3A_884 : i32 to index
      %swap3A_886 = tpu.vector_load %arg7[%swap3A_885] {strides = array<i32>} : memref<40896xf32, #tpu.memory_space<vmem>>, vector<16xf32>,
      tpu.vector_store %arg7[%swap3A_885], %add3A_878 {strides = array<i32>} : memref<40896xf32, #tpu.memory_space<vmem>>, vector<16xf32>,
    }
    %scan3A_663 = arith.constant 360 : i32
    %lt3A_664 = arith.constant 31 : i32
    %lt3A_665 = arith.cmpi slt, %add3A, %lt3A_664 : i32
    %convert_element_type3A_666 = arith.extui %lt3A_665 : i1 to i32
    %cond3A_667 = arith.constant 0 : i32
    %cond3A_668 = arith.cmpi ne, %convert_element_type3A_666, %cond3A_667 : i32
    scf.if %cond3A_668 {
      %dma_wait3A_702 = arith.constant 0 : i32
      %dma_wait3A_703 = tpu.memref_slice %arg6[%dma_wait3A_702] : memref<28800xi32, #tpu.memory_space<vmem>> -> memref<28800xi32, #tpu.memory_space<vmem>>
      %dma_wait3A_704 = arith.constant 0 : i32
      %dma_wait3A_705 = tpu.memref_slice %arg2[%dma_wait3A_704] : memref<900000xi32, #tpu.memory_space<hbm>> -> memref<28800xi32, #tpu.memory_space<hbm>>
      %dma_wait3A_706 = arith.constant 0 : i32
      %dma_wait3A_707 = tpu.memref_slice %arg6[%dma_wait3A_706] : memref<28800xi32, #tpu.memory_space<vmem>> -> memref<28800xi32, #tpu.memory_space<vmem>>
      %dma_wait3A_708 = arith.constant 0 : i32
      %dma_wait3A_709 = tpu.memref_slice %arg2[%dma_wait3A_708] : memref<900000xi32, #tpu.memory_space<hbm>> -> memref<28800xi32, #tpu.memory_space<hbm>>
      tpu.wait_dma2 semaphore(%arg11 : memref<!tpu.dma_semaphore, #tpu.memory_space<semaphore_mem>>) src(%dma_wait3A_709 : memref<28800xi32, #tpu.memory_space<hbm>>) dst(%dma_wait3A_707 : memref<28800xi32, #tpu.memory_space<vmem>>)
    } else {
    }
    %eq3A_669 = arith.constant 31 : i32
    %eq3A_670 = arith.cmpi eq, %add3A, %eq3A_669 : i32
    %convert_element_type3A_671 = arith.extui %eq3A_670 : i1 to i32
    %cond3A_672 = arith.constant 0 : i32
    %cond3A_673 = arith.cmpi ne, %convert_element_type3A_671, %cond3A_672 : i32
    scf.if %cond3A_673 {
      %dma_wait3A_702 = arith.constant 0 : i32
      %dma_wait3A_703 = tpu.memref_slice %arg6[%dma_wait3A_702] : memref<28800xi32, #tpu.memory_space<vmem>> -> memref<7200xi32, #tpu.memory_space<vmem>>
      %dma_wait3A_704 = arith.constant 0 : i32
      %dma_wait3A_705 = tpu.memref_slice %arg2[%dma_wait3A_704] : memref<900000xi32, #tpu.memory_space<hbm>> -> memref<7200xi32, #tpu.memory_space<hbm>>
      %dma_wait3A_706 = arith.constant 0 : i32
      %dma_wait3A_707 = tpu.memref_slice %arg6[%dma_wait3A_706] : memref<28800xi32, #tpu.memory_space<vmem>> -> memref<7200xi32, #tpu.memory_space<vmem>>
      %dma_wait3A_708 = arith.constant 0 : i32
      %dma_wait3A_709 = tpu.memref_slice %arg2[%dma_wait3A_708] : memref<900000xi32, #tpu.memory_space<hbm>> -> memref<7200xi32, #tpu.memory_space<hbm>>
      tpu.wait_dma2 semaphore(%arg11 : memref<!tpu.dma_semaphore, #tpu.memory_space<semaphore_mem>>) src(%dma_wait3A_709 : memref<7200xi32, #tpu.memory_space<hbm>>) dst(%dma_wait3A_707 : memref<7200xi32, #tpu.memory_space<vmem>>)
    } else {
    }
    %eq3A_674 = arith.constant 31 : i32
    %eq3A_675 = arith.cmpi eq, %add3A, %eq3A_674 : i32
    %jit3A = arith.constant 2 : i32
    %jit3A_676 = arith.constant 8 : i32
    %select_n3A = arith.select %eq3A_675, %jit3A, %jit3A_676 : i32
    %while3A = arith.constant 0 : i32
    %while3A_677 = arith.constant 0 : i32
    %while3A_678 = arith.subi %select_n3A, %while3A_677 : i32
    %while3A_679 = arith.addi %while3A_677, %while3A_678 : i32
    %while3A_680 = arith.constant 1 : i32
    %while3A_681 = arith.divsi %while3A_678, %while3A_680 : i32
    %while3A_682 = arith.muli %while3A_681, %while3A_680 : i32
    %while3A_683 = arith.addi %while3A_677, %while3A_682 : i32
    %while3A_684 = arith.constant 1 : i32
    scf.for %while3A_702 = %while3A_677 to %while3A_683 step %while3A_684  : i32 {
      %and3A = arith.constant 1 : i32
      %and3A_703 = arith.andi %while3A_702, %and3A : i32
      %mul3A_704 = arith.constant 25600 : i32
      %mul3A_705 = arith.muli %and3A_703, %mul3A_704 : i32
      %mul3A_706 = arith.constant 400 : i32
      %mul3A_707 = arith.muli %while3A_702, %mul3A_706 : i32
      %ge3A = arith.constant 2 : i32
      %ge3A_708 = arith.cmpi sge, %while3A_702, %ge3A : i32
      %convert_element_type3A_709 = arith.extui %ge3A_708 : i1 to i32
      %cond3A_710 = arith.constant 0 : i32
      %cond3A_711 = arith.cmpi ne, %convert_element_type3A_709, %cond3A_710 : i32
      scf.if %cond3A_711 {
        %dma_wait3A_725 = arith.constant 0 : i32
        %dma_wait3A_726 = tpu.memref_slice %arg9[%dma_wait3A_725] : memref<51200xf32, #tpu.memory_space<vmem>> -> memref<25600xf32, #tpu.memory_space<vmem>>
        %dma_wait3A_727 = arith.constant 0 : i32
        %dma_wait3A_728 = tpu.memref_slice %arg5[%dma_wait3A_727] : memref<6400000xf32, #tpu.memory_space<hbm>> -> memref<25600xf32, #tpu.memory_space<hbm>>
        %dma_wait3A_729 = arith.constant 0 : i32
        %dma_wait3A_730 = tpu.memref_slice %arg5[%dma_wait3A_729] : memref<6400000xf32, #tpu.memory_space<hbm>> -> memref<25600xf32, #tpu.memory_space<hbm>>
        %dma_wait3A_731 = arith.constant 0 : i32
        %dma_wait3A_732 = tpu.memref_slice %arg9[%dma_wait3A_731] : memref<51200xf32, #tpu.memory_space<vmem>> -> memref<25600xf32, #tpu.memory_space<vmem>>
        tpu.wait_dma2 semaphore(%arg10 : memref<!tpu.dma_semaphore, #tpu.memory_space<semaphore_mem>>) src(%dma_wait3A_732 : memref<25600xf32, #tpu.memory_space<vmem>>) dst(%dma_wait3A_730 : memref<25600xf32, #tpu.memory_space<hbm>>)
      } else {
      }
      %scan3A_712 = arith.constant 0 : i32
      %scan3A_713 = arith.constant 0 : i32
      %scan3A_714 = arith.constant 25 : i32
      %scan3A_715 = arith.addi %scan3A_713, %scan3A_714 : i32
      %scan3A_716 = arith.constant 1 : i32
      scf.for %scan3A_725 = %scan3A_713 to %scan3A_715 step %scan3A_716  : i32 {
        %add3A_726 = vector.broadcast %mul3A_707 : i32 to vector<16xi32>
        %add3A_727 = arith.addi %add3A_726, %iota3A : vector<16xi32>
        %mul3A_728 = arith.constant 16 : i32
        %mul3A_729 = arith.muli %mul3A_728, %scan3A_725 : i32
        %add3A_730 = vector.broadcast %mul3A_729 : i32 to vector<16xi32>
        %add3A_731 = arith.addi %add3A_727, %add3A_730 : vector<16xi32>
        %mul3A_732 = arith.constant 9 : i32
        %mul3A_733 = vector.broadcast %mul3A_732 : i32 to vector<16xi32>
        %mul3A_734 = arith.muli %add3A_731, %mul3A_733 : vector<16xi32>
        %add3A_735 = arith.constant 0 : i32
        %add3A_736 = vector.broadcast %add3A_735 : i32 to vector<16xi32>
        %add3A_737 = arith.addi %mul3A_734, %add3A_736 : vector<16xi32>
        %gather3A = tpu.vector_load_idx %arg6[%add3A_737] : memref<28800xi32, #tpu.memory_space<vmem>>[vector<16xi32>], vector<16xi32>,
        %add3A_738 = arith.constant 1 : i32
        %add3A_739 = vector.broadcast %add3A_738 : i32 to vector<16xi32>
        %add3A_740 = arith.addi %mul3A_734, %add3A_739 : vector<16xi32>
        %gather3A_741 = tpu.vector_load_idx %arg6[%add3A_740] : memref<28800xi32, #tpu.memory_space<vmem>>[vector<16xi32>], vector<16xi32>,
        %add3A_742 = arith.constant 2 : i32
        %add3A_743 = vector.broadcast %add3A_742 : i32 to vector<16xi32>
        %add3A_744 = arith.addi %mul3A_734, %add3A_743 : vector<16xi32>
        %gather3A_745 = tpu.vector_load_idx %arg6[%add3A_744] : memref<28800xi32, #tpu.memory_space<vmem>>[vector<16xi32>], vector<16xi32>,
        %add3A_746 = arith.constant 3 : i32
        %add3A_747 = vector.broadcast %add3A_746 : i32 to vector<16xi32>
        %add3A_748 = arith.addi %mul3A_734, %add3A_747 : vector<16xi32>
        %gather3A_749 = tpu.vector_load_idx %arg6[%add3A_748] : memref<28800xi32, #tpu.memory_space<vmem>>[vector<16xi32>], vector<16xi32>,
        %add3A_750 = arith.constant 4 : i32
        %add3A_751 = vector.broadcast %add3A_750 : i32 to vector<16xi32>
        %add3A_752 = arith.addi %mul3A_734, %add3A_751 : vector<16xi32>
        %gather3A_753 = tpu.vector_load_idx %arg6[%add3A_752] : memref<28800xi32, #tpu.memory_space<vmem>>[vector<16xi32>], vector<16xi32>,
        %add3A_754 = arith.constant 5 : i32
        %add3A_755 = vector.broadcast %add3A_754 : i32 to vector<16xi32>
        %add3A_756 = arith.addi %mul3A_734, %add3A_755 : vector<16xi32>
        %gather3A_757 = tpu.vector_load_idx %arg6[%add3A_756] : memref<28800xi32, #tpu.memory_space<vmem>>[vector<16xi32>], vector<16xi32>,
        %add3A_758 = arith.constant 6 : i32
        %add3A_759 = vector.broadcast %add3A_758 : i32 to vector<16xi32>
        %add3A_760 = arith.addi %mul3A_734, %add3A_759 : vector<16xi32>
        %gather3A_761 = tpu.vector_load_idx %arg6[%add3A_760] : memref<28800xi32, #tpu.memory_space<vmem>>[vector<16xi32>], vector<16xi32>,
        %add3A_762 = arith.constant 7 : i32
        %add3A_763 = vector.broadcast %add3A_762 : i32 to vector<16xi32>
        %add3A_764 = arith.addi %mul3A_734, %add3A_763 : vector<16xi32>
        %gather3A_765 = tpu.vector_load_idx %arg6[%add3A_764] : memref<28800xi32, #tpu.memory_space<vmem>>[vector<16xi32>], vector<16xi32>,
        %add3A_766 = arith.constant 8 : i32
        %add3A_767 = vector.broadcast %add3A_766 : i32 to vector<16xi32>
        %add3A_768 = arith.addi %mul3A_734, %add3A_767 : vector<16xi32>
        %gather3A_769 = tpu.vector_load_idx %arg6[%add3A_768] : memref<28800xi32, #tpu.memory_space<vmem>>[vector<16xi32>], vector<16xi32>,
        %add3A_770 = arith.constant 0 : i32
        %add3A_771 = vector.broadcast %add3A_770 : i32 to vector<16xi32>
        %add3A_772 = arith.addi %gather3A, %add3A_771 : vector<16xi32>
        %mul3A_773 = arith.constant 64 : i32
        %mul3A_774 = vector.broadcast %mul3A_773 : i32 to vector<16xi32>
        %mul3A_775 = arith.muli %add3A_772, %mul3A_774 : vector<16xi32>
        %mul3A_776 = arith.constant 2 : i32
        %mul3A_777 = vector.broadcast %mul3A_776 : i32 to vector<16xi32>
        %mul3A_778 = arith.muli %gather3A_741, %mul3A_777 : vector<16xi32>
        %add3A_779 = arith.addi %mul3A_778, %gather3A_765 : vector<16xi32>
        %mul3A_780 = arith.constant 2 : i32
        %mul3A_781 = vector.broadcast %mul3A_780 : i32 to vector<16xi32>
        %mul3A_782 = arith.muli %add3A_779, %mul3A_781 : vector<16xi32>
        %add3A_783 = arith.addi %mul3A_782, %gather3A_769 : vector<16xi32>
        %add3A_784 = arith.constant 119 : i32
        %add3A_785 = vector.broadcast %add3A_784 : i32 to vector<16xi32>
        %add3A_786 = arith.addi %add3A_783, %add3A_785 : vector<16xi32>
        %mul3A_787 = arith.constant 64 : i32
        %mul3A_788 = vector.broadcast %mul3A_787 : i32 to vector<16xi32>
        %mul3A_789 = arith.muli %add3A_786, %mul3A_788 : vector<16xi32>
        %mul3A_790 = arith.constant 12 : i32
        %mul3A_791 = vector.broadcast %mul3A_790 : i32 to vector<16xi32>
        %mul3A_792 = arith.muli %gather3A_745, %mul3A_791 : vector<16xi32>
        %add3A_793 = arith.addi %mul3A_792, %gather3A_749 : vector<16xi32>
        %add3A_794 = arith.constant 135 : i32
        %add3A_795 = vector.broadcast %add3A_794 : i32 to vector<16xi32>
        %add3A_796 = arith.addi %add3A_793, %add3A_795 : vector<16xi32>
        %mul3A_797 = arith.constant 64 : i32
        %mul3A_798 = vector.broadcast %mul3A_797 : i32 to vector<16xi32>
        %mul3A_799 = arith.muli %add3A_796, %mul3A_798 : vector<16xi32>
        %mul3A_800 = arith.constant 6 : i32
        %mul3A_801 = vector.broadcast %mul3A_800 : i32 to vector<16xi32>
        %mul3A_802 = arith.muli %gather3A_753, %mul3A_801 : vector<16xi32>
        %add3A_803 = arith.addi %mul3A_802, %gather3A_757 : vector<16xi32>
        %mul3A_804 = arith.constant 6 : i32
        %mul3A_805 = vector.broadcast %mul3A_804 : i32 to vector<16xi32>
        %mul3A_806 = arith.muli %add3A_803, %mul3A_805 : vector<16xi32>
        %add3A_807 = arith.addi %mul3A_806, %gather3A_761 : vector<16xi32>
        %add3A_808 = arith.constant 279 : i32
        %add3A_809 = vector.broadcast %add3A_808 : i32 to vector<16xi32>
        %add3A_810 = arith.addi %add3A_807, %add3A_809 : vector<16xi32>
        %mul3A_811 = arith.constant 64 : i32
        %mul3A_812 = vector.broadcast %mul3A_811 : i32 to vector<16xi32>
        %mul3A_813 = arith.muli %add3A_810, %mul3A_812 : vector<16xi32>
        %mul3A_814 = arith.constant 16 : i32
        %mul3A_815 = arith.muli %mul3A_814, %scan3A_725 : i32
        %add3A_816 = vector.broadcast %mul3A_815 : i32 to vector<16xi32>
        %add3A_817 = arith.addi %iota3A, %add3A_816 : vector<16xi32>
        %mul3A_818 = arith.constant 64 : i32
        %mul3A_819 = vector.broadcast %mul3A_818 : i32 to vector<16xi32>
        %mul3A_820 = arith.muli %add3A_817, %mul3A_819 : vector<16xi32>
        %add3A_821 = vector.broadcast %mul3A_705 : i32 to vector<16xi32>
        %add3A_822 = arith.addi %add3A_821, %mul3A_820 : vector<16xi32>
        %add3A_823 = arith.addi %mul3A_775, %mul3A_789 : vector<16xi32>
        %add3A_824 = arith.addi %mul3A_799, %mul3A_813 : vector<16xi32>
        %add3A_825 = arith.addi %add3A_823, %add3A_824 : vector<16xi32>
        %convert_element_type3A_826 = arith.sitofp %add3A_825 : vector<16xi32> to vector<16xf32>
        tpu.vector_store_idx %arg9[%add3A_822], %convert_element_type3A_826 : memref<51200xf32, #tpu.memory_space<vmem>>[vector<16xi32>], vector<16xf32>,
      }
      %scan3A_717 = arith.constant 25 : i32
      %add3A_718 = arith.addi %mul3A_2, %mul3A_707 : i32
      %mul3A_719 = arith.constant 64 : i32
      %mul3A_720 = arith.muli %add3A_718, %mul3A_719 : i32
      %dma_start3A_721 = tpu.memref_slice %arg9[%mul3A_705] : memref<51200xf32, #tpu.memory_space<vmem>> -> memref<25600xf32, #tpu.memory_space<vmem>>
      %dma_start3A_722 = tpu.memref_slice %arg5[%mul3A_720] : memref<6400000xf32, #tpu.memory_space<hbm>> -> memref<25600xf32, #tpu.memory_space<hbm>>
      %dma_start3A_723 = tpu.memref_slice %arg5[%mul3A_720] : memref<6400000xf32, #tpu.memory_space<hbm>> -> memref<25600xf32, #tpu.memory_space<hbm>>
      %dma_start3A_724 = tpu.memref_slice %arg9[%mul3A_705] : memref<51200xf32, #tpu.memory_space<vmem>> -> memref<25600xf32, #tpu.memory_space<vmem>>
      tpu.enqueue_dma source(%dma_start3A_724 : memref<25600xf32, #tpu.memory_space<vmem>>) target(%dma_start3A_723 : memref<25600xf32, #tpu.memory_space<hbm>>) target_semaphore(%arg10 : memref<!tpu.dma_semaphore, #tpu.memory_space<semaphore_mem>>)
    }
    %while3A_685 = arith.constant 1 : i32
    scf.for %while3A_702 = %while3A_683 to %while3A_679 step %while3A_685  : i32 {
      %and3A = arith.constant 1 : i32
      %and3A_703 = arith.andi %while3A_702, %and3A : i32
      %mul3A_704 = arith.constant 25600 : i32
      %mul3A_705 = arith.muli %and3A_703, %mul3A_704 : i32
      %mul3A_706 = arith.constant 400 : i32
      %mul3A_707 = arith.muli %while3A_702, %mul3A_706 : i32
      %ge3A = arith.constant 2 : i32
      %ge3A_708 = arith.cmpi sge, %while3A_702, %ge3A : i32
      %convert_element_type3A_709 = arith.extui %ge3A_708 : i1 to i32
      %cond3A_710 = arith.constant 0 : i32
      %cond3A_711 = arith.cmpi ne, %convert_element_type3A_709, %cond3A_710 : i32
      scf.if %cond3A_711 {
        %dma_wait3A_725 = arith.constant 0 : i32
        %dma_wait3A_726 = tpu.memref_slice %arg9[%dma_wait3A_725] : memref<51200xf32, #tpu.memory_space<vmem>> -> memref<25600xf32, #tpu.memory_space<vmem>>
        %dma_wait3A_727 = arith.constant 0 : i32
        %dma_wait3A_728 = tpu.memref_slice %arg5[%dma_wait3A_727] : memref<6400000xf32, #tpu.memory_space<hbm>> -> memref<25600xf32, #tpu.memory_space<hbm>>
        %dma_wait3A_729 = arith.constant 0 : i32
        %dma_wait3A_730 = tpu.memref_slice %arg5[%dma_wait3A_729] : memref<6400000xf32, #tpu.memory_space<hbm>> -> memref<25600xf32, #tpu.memory_space<hbm>>
        %dma_wait3A_731 = arith.constant 0 : i32
        %dma_wait3A_732 = tpu.memref_slice %arg9[%dma_wait3A_731] : memref<51200xf32, #tpu.memory_space<vmem>> -> memref<25600xf32, #tpu.memory_space<vmem>>
        tpu.wait_dma2 semaphore(%arg10 : memref<!tpu.dma_semaphore, #tpu.memory_space<semaphore_mem>>) src(%dma_wait3A_732 : memref<25600xf32, #tpu.memory_space<vmem>>) dst(%dma_wait3A_730 : memref<25600xf32, #tpu.memory_space<hbm>>)
      } else {
      }
      %scan3A_712 = arith.constant 0 : i32
      %scan3A_713 = arith.constant 0 : i32
      %scan3A_714 = arith.constant 25 : i32
      %scan3A_715 = arith.addi %scan3A_713, %scan3A_714 : i32
      %scan3A_716 = arith.constant 1 : i32
      scf.for %scan3A_725 = %scan3A_713 to %scan3A_715 step %scan3A_716  : i32 {
        %add3A_726 = vector.broadcast %mul3A_707 : i32 to vector<16xi32>
        %add3A_727 = arith.addi %add3A_726, %iota3A : vector<16xi32>
        %mul3A_728 = arith.constant 16 : i32
        %mul3A_729 = arith.muli %mul3A_728, %scan3A_725 : i32
        %add3A_730 = vector.broadcast %mul3A_729 : i32 to vector<16xi32>
        %add3A_731 = arith.addi %add3A_727, %add3A_730 : vector<16xi32>
        %mul3A_732 = arith.constant 9 : i32
        %mul3A_733 = vector.broadcast %mul3A_732 : i32 to vector<16xi32>
        %mul3A_734 = arith.muli %add3A_731, %mul3A_733 : vector<16xi32>
        %add3A_735 = arith.constant 0 : i32
        %add3A_736 = vector.broadcast %add3A_735 : i32 to vector<16xi32>
        %add3A_737 = arith.addi %mul3A_734, %add3A_736 : vector<16xi32>
        %gather3A = tpu.vector_load_idx %arg6[%add3A_737] : memref<28800xi32, #tpu.memory_space<vmem>>[vector<16xi32>], vector<16xi32>,
        %add3A_738 = arith.constant 1 : i32
        %add3A_739 = vector.broadcast %add3A_738 : i32 to vector<16xi32>
        %add3A_740 = arith.addi %mul3A_734, %add3A_739 : vector<16xi32>
        %gather3A_741 = tpu.vector_load_idx %arg6[%add3A_740] : memref<28800xi32, #tpu.memory_space<vmem>>[vector<16xi32>], vector<16xi32>,
        %add3A_742 = arith.constant 2 : i32
        %add3A_743 = vector.broadcast %add3A_742 : i32 to vector<16xi32>
        %add3A_744 = arith.addi %mul3A_734, %add3A_743 : vector<16xi32>
        %gather3A_745 = tpu.vector_load_idx %arg6[%add3A_744] : memref<28800xi32, #tpu.memory_space<vmem>>[vector<16xi32>], vector<16xi32>,
        %add3A_746 = arith.constant 3 : i32
        %add3A_747 = vector.broadcast %add3A_746 : i32 to vector<16xi32>
        %add3A_748 = arith.addi %mul3A_734, %add3A_747 : vector<16xi32>
        %gather3A_749 = tpu.vector_load_idx %arg6[%add3A_748] : memref<28800xi32, #tpu.memory_space<vmem>>[vector<16xi32>], vector<16xi32>,
        %add3A_750 = arith.constant 4 : i32
        %add3A_751 = vector.broadcast %add3A_750 : i32 to vector<16xi32>
        %add3A_752 = arith.addi %mul3A_734, %add3A_751 : vector<16xi32>
        %gather3A_753 = tpu.vector_load_idx %arg6[%add3A_752] : memref<28800xi32, #tpu.memory_space<vmem>>[vector<16xi32>], vector<16xi32>,
        %add3A_754 = arith.constant 5 : i32
        %add3A_755 = vector.broadcast %add3A_754 : i32 to vector<16xi32>
        %add3A_756 = arith.addi %mul3A_734, %add3A_755 : vector<16xi32>
        %gather3A_757 = tpu.vector_load_idx %arg6[%add3A_756] : memref<28800xi32, #tpu.memory_space<vmem>>[vector<16xi32>], vector<16xi32>,
        %add3A_758 = arith.constant 6 : i32
        %add3A_759 = vector.broadcast %add3A_758 : i32 to vector<16xi32>
        %add3A_760 = arith.addi %mul3A_734, %add3A_759 : vector<16xi32>
        %gather3A_761 = tpu.vector_load_idx %arg6[%add3A_760] : memref<28800xi32, #tpu.memory_space<vmem>>[vector<16xi32>], vector<16xi32>,
        %add3A_762 = arith.constant 7 : i32
        %add3A_763 = vector.broadcast %add3A_762 : i32 to vector<16xi32>
        %add3A_764 = arith.addi %mul3A_734, %add3A_763 : vector<16xi32>
        %gather3A_765 = tpu.vector_load_idx %arg6[%add3A_764] : memref<28800xi32, #tpu.memory_space<vmem>>[vector<16xi32>], vector<16xi32>,
        %add3A_766 = arith.constant 8 : i32
        %add3A_767 = vector.broadcast %add3A_766 : i32 to vector<16xi32>
        %add3A_768 = arith.addi %mul3A_734, %add3A_767 : vector<16xi32>
        %gather3A_769 = tpu.vector_load_idx %arg6[%add3A_768] : memref<28800xi32, #tpu.memory_space<vmem>>[vector<16xi32>], vector<16xi32>,
        %add3A_770 = arith.constant 0 : i32
        %add3A_771 = vector.broadcast %add3A_770 : i32 to vector<16xi32>
        %add3A_772 = arith.addi %gather3A, %add3A_771 : vector<16xi32>
        %mul3A_773 = arith.constant 64 : i32
        %mul3A_774 = vector.broadcast %mul3A_773 : i32 to vector<16xi32>
        %mul3A_775 = arith.muli %add3A_772, %mul3A_774 : vector<16xi32>
        %mul3A_776 = arith.constant 2 : i32
        %mul3A_777 = vector.broadcast %mul3A_776 : i32 to vector<16xi32>
        %mul3A_778 = arith.muli %gather3A_741, %mul3A_777 : vector<16xi32>
        %add3A_779 = arith.addi %mul3A_778, %gather3A_765 : vector<16xi32>
        %mul3A_780 = arith.constant 2 : i32
        %mul3A_781 = vector.broadcast %mul3A_780 : i32 to vector<16xi32>
        %mul3A_782 = arith.muli %add3A_779, %mul3A_781 : vector<16xi32>
        %add3A_783 = arith.addi %mul3A_782, %gather3A_769 : vector<16xi32>
        %add3A_784 = arith.constant 119 : i32
        %add3A_785 = vector.broadcast %add3A_784 : i32 to vector<16xi32>
        %add3A_786 = arith.addi %add3A_783, %add3A_785 : vector<16xi32>
        %mul3A_787 = arith.constant 64 : i32
        %mul3A_788 = vector.broadcast %mul3A_787 : i32 to vector<16xi32>
        %mul3A_789 = arith.muli %add3A_786, %mul3A_788 : vector<16xi32>
        %mul3A_790 = arith.constant 12 : i32
        %mul3A_791 = vector.broadcast %mul3A_790 : i32 to vector<16xi32>
        %mul3A_792 = arith.muli %gather3A_745, %mul3A_791 : vector<16xi32>
        %add3A_793 = arith.addi %mul3A_792, %gather3A_749 : vector<16xi32>
        %add3A_794 = arith.constant 135 : i32
        %add3A_795 = vector.broadcast %add3A_794 : i32 to vector<16xi32>
        %add3A_796 = arith.addi %add3A_793, %add3A_795 : vector<16xi32>
        %mul3A_797 = arith.constant 64 : i32
        %mul3A_798 = vector.broadcast %mul3A_797 : i32 to vector<16xi32>
        %mul3A_799 = arith.muli %add3A_796, %mul3A_798 : vector<16xi32>
        %mul3A_800 = arith.constant 6 : i32
        %mul3A_801 = vector.broadcast %mul3A_800 : i32 to vector<16xi32>
        %mul3A_802 = arith.muli %gather3A_753, %mul3A_801 : vector<16xi32>
        %add3A_803 = arith.addi %mul3A_802, %gather3A_757 : vector<16xi32>
        %mul3A_804 = arith.constant 6 : i32
        %mul3A_805 = vector.broadcast %mul3A_804 : i32 to vector<16xi32>
        %mul3A_806 = arith.muli %add3A_803, %mul3A_805 : vector<16xi32>
        %add3A_807 = arith.addi %mul3A_806, %gather3A_761 : vector<16xi32>
        %add3A_808 = arith.constant 279 : i32
        %add3A_809 = vector.broadcast %add3A_808 : i32 to vector<16xi32>
        %add3A_810 = arith.addi %add3A_807, %add3A_809 : vector<16xi32>
        %mul3A_811 = arith.constant 64 : i32
        %mul3A_812 = vector.broadcast %mul3A_811 : i32 to vector<16xi32>
        %mul3A_813 = arith.muli %add3A_810, %mul3A_812 : vector<16xi32>
        %mul3A_814 = arith.constant 16 : i32
        %mul3A_815 = arith.muli %mul3A_814, %scan3A_725 : i32
        %add3A_816 = vector.broadcast %mul3A_815 : i32 to vector<16xi32>
        %add3A_817 = arith.addi %iota3A, %add3A_816 : vector<16xi32>
        %mul3A_818 = arith.constant 64 : i32
        %mul3A_819 = vector.broadcast %mul3A_818 : i32 to vector<16xi32>
        %mul3A_820 = arith.muli %add3A_817, %mul3A_819 : vector<16xi32>
        %add3A_821 = vector.broadcast %mul3A_705 : i32 to vector<16xi32>
        %add3A_822 = arith.addi %add3A_821, %mul3A_820 : vector<16xi32>
        %add3A_823 = arith.addi %mul3A_775, %mul3A_789 : vector<16xi32>
        %add3A_824 = arith.addi %mul3A_799, %mul3A_813 : vector<16xi32>
        %add3A_825 = arith.addi %add3A_823, %add3A_824 : vector<16xi32>
        %convert_element_type3A_826 = arith.sitofp %add3A_825 : vector<16xi32> to vector<16xf32>
        tpu.vector_store_idx %arg9[%add3A_822], %convert_element_type3A_826 : memref<51200xf32, #tpu.memory_space<vmem>>[vector<16xi32>], vector<16xf32>,
      }
      %scan3A_717 = arith.constant 25 : i32
      %add3A_718 = arith.addi %mul3A_2, %mul3A_707 : i32
      %mul3A_719 = arith.constant 64 : i32
      %mul3A_720 = arith.muli %add3A_718, %mul3A_719 : i32
      %dma_start3A_721 = tpu.memref_slice %arg9[%mul3A_705] : memref<51200xf32, #tpu.memory_space<vmem>> -> memref<25600xf32, #tpu.memory_space<vmem>>
      %dma_start3A_722 = tpu.memref_slice %arg5[%mul3A_720] : memref<6400000xf32, #tpu.memory_space<hbm>> -> memref<25600xf32, #tpu.memory_space<hbm>>
      %dma_start3A_723 = tpu.memref_slice %arg5[%mul3A_720] : memref<6400000xf32, #tpu.memory_space<hbm>> -> memref<25600xf32, #tpu.memory_space<hbm>>
      %dma_start3A_724 = tpu.memref_slice %arg9[%mul3A_705] : memref<51200xf32, #tpu.memory_space<vmem>> -> memref<25600xf32, #tpu.memory_space<vmem>>
      tpu.enqueue_dma source(%dma_start3A_724 : memref<25600xf32, #tpu.memory_space<vmem>>) target(%dma_start3A_723 : memref<25600xf32, #tpu.memory_space<hbm>>) target_semaphore(%arg10 : memref<!tpu.dma_semaphore, #tpu.memory_space<semaphore_mem>>)
    }
    %dma_wait3A_686 = arith.constant 0 : i32
    %dma_wait3A_687 = tpu.memref_slice %arg9[%dma_wait3A_686] : memref<51200xf32, #tpu.memory_space<vmem>> -> memref<25600xf32, #tpu.memory_space<vmem>>
    %dma_wait3A_688 = arith.constant 0 : i32
    %dma_wait3A_689 = tpu.memref_slice %arg5[%dma_wait3A_688] : memref<6400000xf32, #tpu.memory_space<hbm>> -> memref<25600xf32, #tpu.memory_space<hbm>>
    %dma_wait3A_690 = arith.constant 0 : i32
    %dma_wait3A_691 = tpu.memref_slice %arg5[%dma_wait3A_690] : memref<6400000xf32, #tpu.memory_space<hbm>> -> memref<25600xf32, #tpu.memory_space<hbm>>
    %dma_wait3A_692 = arith.constant 0 : i32
    %dma_wait3A_693 = tpu.memref_slice %arg9[%dma_wait3A_692] : memref<51200xf32, #tpu.memory_space<vmem>> -> memref<25600xf32, #tpu.memory_space<vmem>>
    tpu.wait_dma2 semaphore(%arg10 : memref<!tpu.dma_semaphore, #tpu.memory_space<semaphore_mem>>) src(%dma_wait3A_693 : memref<25600xf32, #tpu.memory_space<vmem>>) dst(%dma_wait3A_691 : memref<25600xf32, #tpu.memory_space<hbm>>)
    %dma_wait3A_694 = arith.constant 0 : i32
    %dma_wait3A_695 = tpu.memref_slice %arg9[%dma_wait3A_694] : memref<51200xf32, #tpu.memory_space<vmem>> -> memref<25600xf32, #tpu.memory_space<vmem>>
    %dma_wait3A_696 = arith.constant 0 : i32
    %dma_wait3A_697 = tpu.memref_slice %arg5[%dma_wait3A_696] : memref<6400000xf32, #tpu.memory_space<hbm>> -> memref<25600xf32, #tpu.memory_space<hbm>>
    %dma_wait3A_698 = arith.constant 0 : i32
    %dma_wait3A_699 = tpu.memref_slice %arg5[%dma_wait3A_698] : memref<6400000xf32, #tpu.memory_space<hbm>> -> memref<25600xf32, #tpu.memory_space<hbm>>
    %dma_wait3A_700 = arith.constant 0 : i32
    %dma_wait3A_701 = tpu.memref_slice %arg9[%dma_wait3A_700] : memref<51200xf32, #tpu.memory_space<vmem>> -> memref<25600xf32, #tpu.memory_space<vmem>>
    tpu.wait_dma2 semaphore(%arg10 : memref<!tpu.dma_semaphore, #tpu.memory_space<semaphore_mem>>) src(%dma_wait3A_701 : memref<25600xf32, #tpu.memory_space<vmem>>) dst(%dma_wait3A_699 : memref<25600xf32, #tpu.memory_space<hbm>>)
    return
  }
}

</mosaic_0001>

<sc_bundles>
// kernel: kernel.3.cloned.1.call-start
scs
__scs_entry_jumppad:
0x0: {  	(pc) =	sbr.rel $0x88, $3  }
0x1: {  	(tag) =	ssettag $0x0;
	lr =	simm.s32 $0x1  }
0x2: {  	[smem:$0x3F97] =	sst lr;
	_ =	strace $0xD0000000  }
0x3: {  	_ = 	snop  }
0x4: {  	_ = 	snop  }
0x5: {  	_ = 	snop  }
0x6: {  	_ = 	snop  }
0x7: {  	_ = 	snop  }
__scs_overlays_trampoline_lowered:
0x8: {  	[smem:$0x3FA6] =	sst s0  }
0x9: {  	[smem:$0x3FA7] =	sst s1  }
0xa: {  	[smem:$0x3FA8] =	sst s2  }
0xb: {  	[smem:$0x3FA9] =	sst s3  }
0xc: {  	[smem:$0x3FAA] =	sst s4  }
0xd: {  	[smem:$0x3FAB] =	sst s5  }
0xe: {  	[smem:$0x3FAC] =	sst s6  }
0xf: {  	[smem:$0x3FAD] =	sst s7  }
0x10: {  	[smem:$0x3FAE] =	sst s8  }
0x11: {  	[smem:$0x3FAF] =	sst s9;
	s0 =	simm.s32 @!p0 $0x0  }
0x12: {  	s1 =	sld [smem:$0x3F95];
	s0 =	simm.s32 @p0 $0x1  }
0x13: {  	[smem:$0x3FB0] =	sst s0;
	s0 =	simm.s32 @!p1 $0x0  }
0x14: {  	s2 =	sld [smem:$0x3F94];
	s0 =	simm.s32 @p1 $0x1  }
0x15: {  	[smem:$0x3FB1] =	sst s0;
	s0 =	simm.s32 @!p2 $0x0  }
0x16: {  	s3 =	sld [smem:$0x3FDB];
	s0 =	simm.s32 @p2 $0x1  }
0x17: {  	s4 =	simm.s32 $0x1BF5;
	[smem:$0x3FB3] =	sst s0  }
0x18: {  	s0 =	sld [smem:$0x3F96];
	_ =	swait.ge [sflag:s4], $0x0  }
0x19: {  	s7 =	sld [smem:$0x3F97]  }
0x1a: {  	s8 =	sadd.s32 $0xFFFFE003, lr  }
0x1b: {  	s9 =	sadd.s32 $0xFFFFFEF7, lr;
	s5 =	simm.s32 $0xFFFFFFFF;
	p2 =	slt.u32 s8, $0xFFFFF086  }
0x1c: {  	p1 =	slt.u32 s9, $0xF7A;
	s5 =	simm.s32 @!p2 $0x0  }
0x1d: {  	s5 =	simm.s32 @p1 $0x1;
	p0 =	seq.s32 s7, s2  }
0x1e: {  	s7 =	smul.u32 @!p0 $0xF7A, s2;
	p2 =	seq.s32 @!p0 s5, $0x0  }
0x1f: {  	s9 =	smul.u32 $0xF7A, s1;
	s8 =	simm.s32 @!p0 $0x1BF5;
	p2 =	por !p2, p0  }
0x20: {  	[sflag:s8] =	ssyncset.s32 @!p0 $0xFFFFF086;
	s6 =	sadd.s32 @!p0 s3, s7;
	s7 =	simm.s32 @!p0 $0x108  }
0x21: {  	s3 =	sadd.s32 s3, s9;
	s6 =	sadd.s32 @!p0 $0x88, s6;
	s7 =	simm.s32 @p2 $0x1082  }
0x22: {  	[simem:s7], [sflag:s8] =	dma.local @!p0 [hbm:s6], $0xF7A  }
0x23: {  	s9 =	sor.u32 $0xD0000000, s2;
	s6 =	simm.s32 $0x108;
	_ =	swait.ge @!p0 [sflag:s8], $0x0  }
0x24: {  	s3 =	sadd.s32 $0x88, s3;
	s6 =	simm.s32 @!p1 $0x1082;
	[sflag:s4] =	ssyncset.s32 $0xFFFFF086  }
0x25: {  	[simem:s6], [sflag:s4] =	dma.local [hbm:s3], $0xF7A  }
0x26: {  	[smem:$0x3F97] =	sst s1;
	(tag) =	ssettag s2;
	_ =	strace s9  }
0x27: {  	s1 =	sld [smem:$0x3FA7]  }
0x28: {  	s2 =	sld [smem:$0x3FA8]  }
0x29: {  	s4 =	sld [smem:$0x3FAA]  }
0x2a: {  	p0 =	seq.s32 s5, $0x0;
	s5 =	sld [smem:$0x3FAB]  }
0x2b: {  	s6 =	sld [smem:$0x3FAC]  }
0x2c: {  	s7 =	sld [smem:$0x3FAD]  }
0x2d: {  	s3 =	simm.s32 $0x108;
	s8 =	sld [smem:$0x3FAE]  }
0x2e: {  	s3 =	simm.s32 @!p0 $0x1082;
	s9 =	sld [smem:$0x3FAF]  }
0x2f: {  	lr =	sadd.s32 s0, s3;
	s0 =	sld [smem:$0x3FA6]  }
0x30: {  	s3 =	sld [smem:$0x3FA9]  }
0x31: {  	[smem:$0x3FB2] =	sst s10  }
0x32: {  	s10 =	sld [smem:$0x3FB0];
	_ =	sdelay $0x3  }
0x33: {  	p0 =	seq.s32 s10, $0x1;
	s10 =	sld [smem:$0x3FB2];
	_ =	sdelay $0x3  }
0x34: {  	[smem:$0x3FB2] =	sst s10  }
0x35: {  	s10 =	sld [smem:$0x3FB1];
	_ =	sdelay $0x3  }
0x36: {  	p1 =	seq.s32 s10, $0x1;
	s10 =	sld [smem:$0x3FB2];
	_ =	sdelay $0x3  }
0x37: {  	[smem:$0x3FB2] =	sst s10  }
0x38: {  	s10 =	sld [smem:$0x3FB3]  }
0x39: {  	_ = 	snop;
	(pc) =	sbr.ind lr, $3  }
0x3a: {  	_ = 	snop  }
0x3b: {  	_ = 	snop  }
0x3c: {  	p2 =	seq.s32 s10, $0x1;
	s10 =	sld [smem:$0x3FB2]  }
0x3d: {  	_ =	shalt  }
0x3e: {  	_ =	shalt  }
0x3f: {  	_ =	shalt  }
0x40: {  	_ =	shalt  }
0x41: {  	_ =	shalt  }
0x42: {  	_ =	shalt  }
0x43: {  	_ =	shalt  }
0x44: {  	_ =	shalt  }
0x45: {  	_ =	shalt  }
0x46: {  	_ =	shalt  }
0x47: {  	_ =	shalt  }
0x48: {  	_ =	shalt  }
0x49: {  	_ =	shalt  }
0x4a: {  	_ =	shalt  }
0x4b: {  	_ =	shalt  }
0x4c: {  	_ =	shalt  }
0x4d: {  	_ =	shalt  }
0x4e: {  	_ =	shalt  }
0x4f: {  	_ =	shalt  }
0x50: {  	_ =	shalt  }
0x51: {  	_ =	shalt  }
0x52: {  	_ =	shalt  }
0x53: {  	_ =	shalt  }
0x54: {  	_ =	shalt  }
0x55: {  	_ =	shalt  }
0x56: {  	_ =	shalt  }
0x57: {  	_ =	shalt  }
0x58: {  	_ =	shalt  }
0x59: {  	_ =	shalt  }
0x5a: {  	_ =	shalt  }
0x5b: {  	_ =	shalt  }
0x5c: {  	_ =	shalt  }
0x5d: {  	_ =	shalt  }
0x5e: {  	_ =	shalt  }
0x5f: {  	_ =	shalt  }
0x60: {  	_ =	shalt  }
0x61: {  	_ =	shalt  }
0x62: {  	_ =	shalt  }
0x63: {  	_ =	shalt  }
0x64: {  	_ =	shalt  }
0x65: {  	_ =	shalt  }
0x66: {  	_ =	shalt  }
0x67: {  	_ =	shalt  }
0x68: {  	_ =	shalt  }
0x69: {  	_ =	shalt  }
0x6a: {  	_ =	shalt  }
0x6b: {  	_ =	shalt  }
0x6c: {  	_ =	shalt  }
0x6d: {  	_ =	shalt  }
0x6e: {  	_ =	shalt  }
0x6f: {  	_ =	shalt  }
0x70: {  	_ =	shalt  }
0x71: {  	_ =	shalt  }
0x72: {  	_ =	shalt  }
0x73: {  	_ =	shalt  }
0x74: {  	_ =	shalt  }
0x75: {  	_ =	shalt  }
0x76: {  	_ =	shalt  }
0x77: {  	_ =	shalt  }
0x78: {  	_ =	shalt  }
0x79: {  	_ =	shalt  }
0x7a: {  	_ =	shalt  }
0x7b: {  	_ =	shalt  }
0x7c: {  	_ =	shalt  }
0x7d: {  	_ =	shalt  }
0x7e: {  	_ =	shalt  }
0x7f: {  	_ =	shalt  }
0x80: {  	_ =	shalt  }
0x81: {  	_ =	shalt  }
0x82: {  	_ =	shalt  }
0x83: {  	_ =	shalt  }
0x84: {  	_ =	shalt  }
0x85: {  	_ =	shalt  }
0x86: {  	_ =	shalt  }
0x87: {  	_ =	shalt  }
.Lfunc_end0:
.L_simem_size_0:
called_computation_lowered:
.L_overlay_start_0:
0x88: {  	s2 =	sld [smem:$0x3FD9]  }
0x89: {  	s3 =	sld [smem:$0x3FFE];
	_ =	sdelay $0x1  }
0x8a: {  	s1 =	srdreg.scid  }
0x8b: {  	s0 =	sand.u32 $0x1, s1  }
0x8c: {  	s17 =	sshll.u32 s0, $0xA;
	s2 =	sadd.s32 s3, s2  }
0x8d: {  	s2 =	sadd.s32 s2, s17  }
0x8e: {  	[smem:$0x3FBE] =	sst s2  }
0x8f: {  	_ = 	snop  }
0x90: {  	s2 =	sld [smem:$0x3FD0];
	(tm) =	ssettm $0x1  }
0x91: {  	s18 =	sld [smem:$0x3FFB];
	_ =	sdelay $0x3  }
0x92: {  	_ =	strace s18  }
0x93: {  	s3 =	sld [smem:$0x3FFC];
	_ =	sdelay $0x3  }
0x94: {  	_ =	strace s3  }
0x95: {  	s3 =	sld [smem:$0x3FFD];
	_ =	sdelay $0x3  }
0x96: {  	_ =	strace s3  }
0x97: {  	_ =	strace $0x8FFFFFFF  }
0x98: {  	s19 =	sld [smem:$0x3FDB];
	_ =	sdelay $0x1  }
0x99: {  	s4 =	simm.s32 $_scs_section_size  }
0x9a: {  	s5 =	simm.s32 $_size__tile_overlayer_lowered;
	s6 =	simm.s32 $_tile_overlayer_lowered  }
0x9b: {  	s22 =	simm.s32 $0x1BFF;
	s21 =	sshll.u32 s6, $0x1;
	s3 =	sadd.s32 s4, s19  }
0x9c: {  	s7 =	simm.s32 $0x0;
	s20 =	sshll.u32 s5, $0x1;
	s5 =	sadd.s32 s21, s3  }
0x9d: {  	[timem:s7], [sflag:s22] =	dma.local [hbm:s5], s20  }
0x9e: {  	_ =	swait.ge [sflag:s22], s20  }
0x9f: {  	s4 =	ssub.s32 $0x0, s20;
	[sflag:s22] =	ssyncset.done $0x0  }
0xa0: {  	[sflag:s22] =	ssyncadd.s32 s4;
	_ =	sdelay $0x1  }
0xa1: {  	s23 =	simm.s32 $0x1B8B  }
0xa2: {  	_ =	swait.ge [sflag:s23], $0x1  }
0xa3: {  	[sflag:s23] =	ssyncset.done $0x0  }
0xa4: {  	s25 =	simm.s32 $0x1B8E;
	s24 =	sld [smem:$0x3FFE];
	[sflag:s23] =	ssyncadd.s32 $0xFFFFFFFF  }
0xa5: {  	s26 =	simm.s32 $execute0_lowered;
	[smem:$0x3FD2] =	sst s25  }
0xa6: {  	s5 =	sshll.u32 s26, $0x1;
	_ =	strace $0x80000046;
	[dreg:$0x1] =	wrdreg $0xFFFFFFFF  }
0xa7: {  	s28 =	simm.s32 $_size_execute0_lowered;
	s3 =	sadd.s32 s3, s5;
	[dreg:$0x0] =	wrdreg $0x0  }
0xa8: {  	s5 =	sshll.u32 s28, $0x1;
	[dreg:$0x2] =	wrdreg s3  }
0xa9: {  	[dreg:$0x3] =	wrdreg s5  }
0xaa: {  	[dreg:$0x4] =	wrdreg $0xC0  }
0xab: {  	_ =	task [dreg:s7], $0x5FFFF  }
0xac: {  	[dreg:$0x1] =	wrdreg $0xFFFFFFFF  }
0xad: {  	[dreg:$0x0] =	wrdreg $0x60  }
0xae: {  	[dreg:$0x2] =	wrdreg s24  }
0xaf: {  	[dreg:$0x3] =	wrdreg s2  }
0xb0: {  	[dreg:$0x4] =	wrdreg $0x9  }
0xb1: {  	_ =	task.clear_ibuf [dreg:s7], $0x5FFFF;
	_ =	strace $0x90000046  }
0xb2: {  	s29 =	simm.s32 $0x9;
	_ =	strace $0x80000048  }
0xb3: {  	_ =	swait.ge [sflag:s29], $0x1  }
0xb4: {  	[sflag:s29] =	ssyncadd.s32 $0xFFFFFFFF  }
0xb5: {  	_ =	strace $0x90000048  }
0xb6: {  	_ =	sfence  }
0xb7: {  	s30 =	sld [smem:$0x0];
	_ =	sdelay $0x2  }
0xb8: {  	s31 =	sshll.u32 s1, $0xD;
	s1 =	sshrl.u32 s1, $0x2  }
0xb9: {  	s3 =	sand.u32 $0x4000, s31;
	s1 =	sadd.s32 s1, s30  }
0xba: {  	s0 =	sor.u32 s3, s0;
	s1 =	sshll.u32 s1, $0x11  }
0xbb: {  	s0 =	sor.u32 s1, s0  }
0xbc: {  	s0 =	sadd.s32 $0x8F2B, s0  }
0xbd: {  	[sflag:s0] =	ssyncadd.remote.s32 $0x1  }
0xbe: {  	_ =	sfence.sel $0xFFFF  }
0xbf: {  	[dreg:$0x0] =	wrdreg $0xFFFFFFFF;
	(pc) =	sbr.abs _section_cstart, $3  }
0xc0: {  	[dreg:$0x1] =	wrdreg $0xFFFFFFFF  }
0xc1: {  	_ =	task.clear_ibuf [dreg:s7], $0x2FFFF;
	_ =	strace $0x9FFFFFFF  }
0xc2: {  	(tm) =	ssettm $0x7FFFFFFF  }
0xc3: {  	_ =	shalt  }
tec
execute0_lowered:
.L_overlay_start_1:
0x0: {  	(tag) =	ssettag $0x1  }
0x1: {  	s8 =	rddreg [dreg:$0x0];
	s1 =	srdreg.scid  }
0x2: {  	s0 =	stileid.u32;
	s2 =	rddreg [dreg:$0x1]  }
0x3: {  	s3 =	simm.s32 $0x0;
	s11 =	simm.s32 $0x11040;
	s12 =	simm.s32 $0x1  }
0x4: {  	s13 =	simm.s32 $0x11DC0;
	s4 =	sand.u32 $0x1, s1;
	s1 =	rddreg [dreg:$0x2]  }
0x5: {  	s14 =	simm.s32 $0x0;
	s5 =	sshll.u32 s0, $0x1;
	[smem:$0x7FF] =	sst s3  }
0x6: {  	s10 =	sor.u32 s4, s5;
	_ =	strace $0x80000047;
	s6 =	ssub.s32 $0x2, s4  }
0x7: {  	s4 =	sadd.s32 $0x400, s8;
	s5 =	smul.u32 $0xE10, s10;
	s9 =	sshrl.u32 s6, $0x1  }
0x8: {  	p0 =	seq.s32 s10, $0x1F;
	s9 =	ssub.s32 s6, s9;
	s6 =	smul.u32 $0xC80, s10  }
0x9: {  	v0 =	vlaneseq.u32;
	s10 =	simm.s32 $0x7080;
	s7 =	sadd.s32 s5, s8;
	s5 =	sadd.s32 $0x600, s8  }
0xa: {  	v1 =	vmul.u32 $0x40, v0;
	s8 =	sadd.s32 $0x1A27F0, s8;
	s9 =	smax.u32 s9, $0x1;
	s7 =	sadd.s32 $0x187400, s7  }
.LBB2_1:
0xb: {  	[tilespmem:s10], [sflag:$0x1] =	stream.linear.gather [hbm4b:s5+s3], $0x1DC0, $0x38;
	[tilespmem:$0x1E5C0] =	vst v63  }
0xc: {  	_ = 	snop  }
0xd: {  	[tilespmem:s11], [sflag:$0x1] =	stream.linear.gather [hbm4b:s4+s3], $0xD80, $0x38;
	[tilespmem:$0x1E5C0] =	vst v63  }
0xe: {  	s15 =	simm.s32 @p0 $0x0  }
0xf: {  	[tilespmem:s15], [sflag:$0x2] =	stream.linear.gather @p0 [hbm4b:s8+s15], $0x1C20, $0x38;
	[tilespmem:$0x1E5C0] =	vst v63  }
0x10: {  	s15 =	simm.s32 @!p0 $0x0  }
0x11: {  	[tilespmem:s15], [sflag:$0x2] =	stream.linear.gather @!p0 [hbm4b:s7+s15], $0x7080, $0x38;
	[tilespmem:$0x1E5C0] =	vst v63  }
0x12: {  	_ =	swait.ge [sflag:s12], $0x1DC0  }
0x13: {  	[sflag:s12] =	ssyncset.done $0x0  }
0x14: {  	[sflag:s12] =	ssyncadd.s32 $0xFFFFE240  }
0x15: {  	_ =	swait.ge [sflag:s12], $0xD80  }
0x16: {  	[sflag:s12] =	ssyncset.done $0x0  }
0x17: {  	[sflag:s12] =	ssyncadd.s32 $0xFFFFF280  }
0x18: {  	v61 =	vld [tilespmem:$0x11D90];
	_ =	sdelay $0x4  }
0x19: {  	[tilespmem:$0x1FBA0] =	vst v61;
	v61 =	vld [tilespmem:$0x110A0];
	_ =	sdelay $0x4  }
0x1a: {  	[tilespmem:$0x1FB80] =	vst v61;
	v61 =	vld [tilespmem:$0x11CE0];
	_ =	sdelay $0x4  }
0x1b: {  	[tilespmem:$0x1FB90] =	vst v61;
	v61 =	vld [tilespmem:$0x11DA0];
	_ =	sdelay $0x4  }
0x1c: {  	[tilespmem:$0x1FBD0] =	vst v61;
	v61 =	vld [tilespmem:$0x110B0];
	_ =	sdelay $0x4  }
0x1d: {  	[tilespmem:$0x1FBB0] =	vst v61;
	v61 =	vld [tilespmem:$0x11CF0];
	_ =	sdelay $0x4  }
0x1e: {  	[tilespmem:$0x1FBC0] =	vst v61;
	v61 =	vld [tilespmem:$0x11DB0];
	_ =	sdelay $0x4  }
0x1f: {  	[tilespmem:$0x1FC00] =	vst v61;
	v61 =	vld [tilespmem:$0x11080];
	_ =	sdelay $0x4  }
0x20: {  	[tilespmem:$0x1FBE0] =	vst v61;
	v61 =	vld [tilespmem:$0x11D00];
	_ =	sdelay $0x4  }
0x21: {  	[tilespmem:$0x1FBF0] =	vst v61;
	v61 =	vld [tilespmem:$0x11D40];
	_ =	sdelay $0x4  }
0x22: {  	[tilespmem:$0x1FC30] =	vst v61;
	v61 =	vld [tilespmem:$0x11090];
	_ =	sdelay $0x4  }
0x23: {  	[tilespmem:$0x1FC10] =	vst v61;
	v61 =	vld [tilespmem:$0x11D10];
	_ =	sdelay $0x4  }
0x24: {  	[tilespmem:$0x1FC20] =	vst v61;
	v61 =	vld [tilespmem:$0x11D50];
	_ =	sdelay $0x4  }
0x25: {  	[tilespmem:$0x1FC60] =	vst v61;
	v61 =	vld [tilespmem:$0x110A0];
	_ =	sdelay $0x4  }
0x26: {  	[tilespmem:$0x1FC40] =	vst v61;
	v61 =	vld [tilespmem:$0x11D20];
	_ =	sdelay $0x4  }
0x27: {  	[tilespmem:$0x1FC50] =	vst v61;
	v61 =	vld [tilespmem:$0x11D60];
	_ =	sdelay $0x4  }
0x28: {  	[tilespmem:$0x1FC90] =	vst v61;
	v61 =	vld [tilespmem:$0x110B0];
	_ =	sdelay $0x4  }
0x29: {  	[tilespmem:$0x1FC70] =	vst v61;
	v61 =	vld [tilespmem:$0x11D30];
	_ =	sdelay $0x4  }
0x2a: {  	[tilespmem:$0x1FC80] =	vst v61;
	v61 =	vld [tilespmem:$0x11D70];
	_ =	sdelay $0x4  }
0x2b: {  	[tilespmem:$0x1FCC0] =	vst v61;
	v61 =	vld [tilespmem:$0x11080];
	_ =	sdelay $0x2  }
0x2c: {  	v11 =	vld [tilespmem:$0x11040]  }
0x2d: {  	v7 =	vld [tilespmem:$0x11CC0]  }
0x2e: {  	[tilespmem:$0x1FCA0] =	vst v61;
	v61 =	vld [tilespmem:$0x11D00]  }
0x2f: {  	v18 =	vld [tilespmem:$0x11D40]  }
0x30: {  	v8 =	vld [tilespmem:$0x11050]  }
0x31: {  	v2 =	vld [tilespmem:$0x11CD0]  }
0x32: {  	v15 =	vld [tilespmem:$0x11D50]  }
0x33: {  	[tilespmem:$0x1FCB0] =	vst v61;
	v61 =	vld [tilespmem:$0x11D80]  }
0x34: {  	v9 =	vld [tilespmem:$0x11060]  }
0x35: {  	v3 =	vld [tilespmem:$0x11CE0]  }
0x36: {  	v20 =	vld [tilespmem:$0x11D60]  }
0x37: {  	v5 =	vld [tilespmem:$0x11070]  }
0x38: {  	[tilespmem:$0x1FCF0] =	vst v61;
	v61 =	vld [tilespmem:$0x11090]  }
0x39: {  	v4 =	vld [tilespmem:$0x11CF0]  }
0x3a: {  	v23 =	vld [tilespmem:$0x11D70]  }
0x3b: {  	v12 =	vld [tilespmem:$0x11040]  }
0x3c: {  	v6 =	vld [tilespmem:$0x11CC0]  }
0x3d: {  	[tilespmem:$0x1FCD0] =	vst v61;
	v61 =	vld [tilespmem:$0x11D10]  }
0x3e: {  	v26 =	vld [tilespmem:$0x11D80]  }
0x3f: {  	v14 =	vld [tilespmem:$0x11050]  }
0x40: {  	v10 =	vld [tilespmem:$0x11CD0]  }
0x41: {  	v60 =	vld [tilespmem:$0x11D90]  }
0x42: {  	[tilespmem:$0x1FCE0] =	vst v61;
	v61 =	vld [tilespmem:$0x11D90]  }
0x43: {  	v16 =	vld [tilespmem:$0x11060]  }
0x44: {  	v13 =	vld [tilespmem:$0x11CE0]  }
0x45: {  	v37 =	vld [tilespmem:$0x11DA0]  }
0x46: {  	v21 =	vld [tilespmem:$0x11070]  }
0x47: {  	[tilespmem:$0x1FD20] =	vst v61;
	v61 =	vld [tilespmem:$0x110A0]  }
0x48: {  	v17 =	vld [tilespmem:$0x11CF0]  }
0x49: {  	v45 =	vld [tilespmem:$0x11DB0]  }
0x4a: {  	v24 =	vld [tilespmem:$0x11040]  }
0x4b: {  	v19 =	vld [tilespmem:$0x11D00]  }
0x4c: {  	[tilespmem:$0x1FD00] =	vst v61;
	v61 =	vld [tilespmem:$0x11D20]  }
0x4d: {  	v36 =	vld [tilespmem:$0x11D40]  }
0x4e: {  	v27 =	vld [tilespmem:$0x11050]  }
0x4f: {  	v22 =	vld [tilespmem:$0x11D10]  }
0x50: {  	v40 =	vld [tilespmem:$0x11D50]  }
0x51: {  	[tilespmem:$0x1FD10] =	vst v61;
	v61 =	vld [tilespmem:$0x11DA0]  }
0x52: {  	v28 =	vld [tilespmem:$0x11060]  }
0x53: {  	v25 =	vld [tilespmem:$0x11D20]  }
0x54: {  	v43 =	vld [tilespmem:$0x11D60]  }
0x55: {  	v30 =	vld [tilespmem:$0x11070]  }
0x56: {  	[tilespmem:$0x1FD50] =	vst v61;
	v61 =	vld [tilespmem:$0x110B0]  }
0x57: {  	v29 =	vld [tilespmem:$0x11D30]  }
0x58: {  	v47 =	vld [tilespmem:$0x11D70]  }
0x59: {  	v32 =	vld [tilespmem:$0x11040]  }
0x5a: {  	v31 =	vld [tilespmem:$0x11D00]  }
0x5b: {  	[tilespmem:$0x1FD30] =	vst v61;
	v61 =	vld [tilespmem:$0x11D30]  }
0x5c: {  	v48 =	vld [tilespmem:$0x11D80]  }
0x5d: {  	v35 =	vld [tilespmem:$0x11050]  }
0x5e: {  	v33 =	vld [tilespmem:$0x11D10]  }
0x5f: {  	v51 =	vld [tilespmem:$0x11D90]  }
0x60: {  	[tilespmem:$0x1FD40] =	vst v61;
	v61 =	vld [tilespmem:$0x11DB0]  }
0x61: {  	v39 =	vld [tilespmem:$0x11060]  }
0x62: {  	v34 =	vld [tilespmem:$0x11D20]  }
0x63: {  	v56 =	vld [tilespmem:$0x11DA0]  }
0x64: {  	v41 =	vld [tilespmem:$0x11070]  }
0x65: {  	[tilespmem:$0x1FD80] =	vst v61;
	v61 =	vld [tilespmem:$0x110C0]  }
0x66: {  	v38 =	vld [tilespmem:$0x11D30]  }
0x67: {  	v57 =	vld [tilespmem:$0x11DB0]  }
0x68: {  	v44 =	vld [tilespmem:$0x11080]  }
0x69: {  	v42 =	vld [tilespmem:$0x11CC0]  }
0x6a: {  	[tilespmem:$0x1FD60] =	vst v61;
	v61 =	vld [tilespmem:$0x11CC0]  }
0x6b: {  	v62 =	vld [tilespmem:$0x11D40]  }
0x6c: {  	v49 =	vld [tilespmem:$0x11090]  }
0x6d: {  	v46 =	vld [tilespmem:$0x11CD0]  }
0x6e: {  	v50 =	vld [tilespmem:$0x11D50]  }
0x6f: {  	[tilespmem:$0x1FD70] =	vst v61;
	v61 =	vld [tilespmem:$0x11D40]  }
0x70: {  	v52 =	vld [tilespmem:$0x110A0]  }
0x71: {  	v53 =	vld [tilespmem:$0x11D60]  }
0x72: {  	v54 =	vld [tilespmem:$0x110B0]  }
0x73: {  	v55 =	vld [tilespmem:$0x11D70]  }
0x74: {  	[tilespmem:$0x1FDB0] =	vst v61;
	v61 =	vld [tilespmem:$0x110D0]  }
0x75: {  	v58 =	vld [tilespmem:$0x11080]  }
0x76: {  	v59 =	vld [tilespmem:$0x11D80]  }
0x77: {  	v63 =	vld [tilespmem:$0x11090]  }
0x78: {  	[tilespmem:$0x1FB40] =	vst v50;
	v50 =	vld [tilespmem:$0x11CE0]  }
0x79: {  	[tilespmem:$0x1FD90] =	vst v61;
	v61 =	vld [tilespmem:$0x11CD0]  }
0x7a: {  	[tilespmem:$0x1FB50] =	vst v53;
	v53 =	vld [tilespmem:$0x11CF0]  }
0x7b: {  	[tilespmem:$0x1FB60] =	vst v55;
	v55 =	vld [tilespmem:$0x11CC0]  }
0x7c: {  	[tilespmem:$0x1FB70] =	vst v59;
	v59 =	vld [tilespmem:$0x11CD0]  }
0x7d: {  	v2 =	vadd.f32 v2, v8;
	v8 =	vld [tilespmem:$0x110C0]  }
0x7e: {  	v7 =	vadd.f32 v7, v11;
	[tilespmem:$0x1FDA0] =	vst v61;
	v61 =	vld [tilespmem:$0x11D50]  }
0x7f: {  	v3 =	vadd.f32 v3, v9;
	v4 =	vadd.f32 v4, v5;
	v5 =	vld [tilespmem:$0x11D80]  }
0x80: {  	v7 =	vadd.f32 v18, v7;
	v18 =	vld [tilespmem:$0x11D00]  }
0x81: {  	v3 =	vadd.f32 v20, v3;
	v20 =	vld [tilespmem:$0x110D0]  }
0x82: {  	v31 =	vadd.f32 v31, v32;
	v2 =	vadd.f32 v15, v2;
	v15 =	vld [tilespmem:$0x11120]  }
0x83: {  	[tilespmem:$0x1FDE0] =	vst v61;
	v61 =	vld [tilespmem:$0x110E0]  }
0x84: {  	v32 =	vadd.f32 v33, v35;
	v33 =	vadd.f32 v48, v31;
	v48 =	vld [tilespmem:$0x1FB60]  }
0x85: {  	[tilespmem:$0x8E50] =	vst v2;
	v2 =	vadd.f32 v23, v4;
	v23 =	vld [tilespmem:$0x11D10]  }
0x86: {  	[tilespmem:$0x8E40] =	vst v7;
	v7 =	vld [tilespmem:$0x110F0]  }
0x87: {  	v9 =	vadd.f32 v51, v32;
	v4 =	vadd.f32 v10, v14;
	v14 =	vld [tilespmem:$0x11CD0]  }
0x88: {  	[tilespmem:$0x1FDC0] =	vst v61;
	v61 =	vld [tilespmem:$0x11CE0]  }
0x89: {  	[tilespmem:$0x8F10] =	vst v9;
	v9 =	vld [tilespmem:$0x11D50]  }
0x8a: {  	v35 =	vadd.f32 v34, v39;
	[tilespmem:$0x1FFE0] =	vst v5;
	v5 =	vadd.f32 v6, v12;
	v6 =	vld [tilespmem:$0x11CC0]  }
0x8b: {  	v39 =	vadd.f32 v42, v44;
	v42 =	vadd.f32 v50, v52;
	v50 =	vld [tilespmem:$0x1FB70]  }
0x8c: {  	v44 =	vadd.f32 v53, v54;
	v53 =	vld [tilespmem:$0x1FBA0]  }
0x8d: {  	[tilespmem:$0x1FDD0] =	vst v61;
	v61 =	vld [tilespmem:$0x11D60]  }
0x8e: {  	[tilespmem:$0x8E70] =	vst v2;
	v2 =	vadd.f32 v60, v4;
	v60 =	vld [tilespmem:$0x110E0]  }
0x8f: {  	v4 =	vadd.f32 v17, v21;
	v17 =	vld [tilespmem:$0x11D60]  }
0x90: {  	v30 =	vadd.f32 v29, v30;
	v51 =	vld [tilespmem:$0x1FB80]  }
0x91: {  	[tilespmem:$0x1FFA0] =	vst v8;
	v21 =	vld [tilespmem:$0x11100]  }
0x92: {  	v8 =	vadd.f32 v47, v30;
	[tilespmem:$0x1FE10] =	vst v61;
	v61 =	vld [tilespmem:$0x110F0]  }
0x93: {  	[tilespmem:$0x8E60] =	vst v3;
	v3 =	vadd.f32 v26, v5;
	v26 =	vld [tilespmem:$0x11D90]  }
0x94: {  	[tilespmem:$0x8EF0] =	vst v8;
	v8 =	vld [tilespmem:$0x11110]  }
0x95: {  	v5 =	vadd.f32 v13, v16;
	v16 =	vld [tilespmem:$0x11CE0]  }
0x96: {  	[tilespmem:$0x1FFB0] =	vst v18;
	v18 =	vld [tilespmem:$0x11130]  }
0x97: {  	[tilespmem:$0x1FDF0] =	vst v61;
	v61 =	vld [tilespmem:$0x11CF0]  }
0x98: {  	[tilespmem:$0x1FFC0] =	vst v20;
	v20 =	vld [tilespmem:$0x11D70]  }
0x99: {  	[tilespmem:$0x8E90] =	vst v2;
	v2 =	vadd.f32 v45, v4;
	v45 =	vld [tilespmem:$0x11DA0]  }
0x9a: {  	v4 =	vadd.f32 v22, v27;
	v22 =	vld [tilespmem:$0x11CC0]  }
0x9b: {  	[tilespmem:$0x8E80] =	vst v3;
	v3 =	vadd.f32 v37, v5;
	v37 =	vld [tilespmem:$0x11D20]  }
0x9c: {  	[tilespmem:$0x1FE00] =	vst v61;
	v61 =	vld [tilespmem:$0x11D70]  }
0x9d: {  	v5 =	vadd.f32 v19, v24;
	v19 =	vld [tilespmem:$0x11CF0]  }
0x9e: {  	[tilespmem:$0x1FFD0] =	vst v23;
	v23 =	vld [tilespmem:$0x11D80]  }
0x9f: {  	[tilespmem:$0x8EB0] =	vst v2;
	v2 =	vadd.f32 v40, v4;
	v4 =	vld [tilespmem:$0x11DB0]  }
0xa0: {  	v40 =	vadd.f32 v46, v49;
	v46 =	vld [tilespmem:$0x1FB50]  }
0xa1: {  	[tilespmem:$0x1FE40] =	vst v61;
	v61 =	vld [tilespmem:$0x110C0]  }
0xa2: {  	[tilespmem:$0x8EA0] =	vst v3;
	v3 =	vadd.f32 v36, v5;
	v5 =	vld [tilespmem:$0x11D30]  }
0xa3: {  	v28 =	vadd.f32 v25, v28;
	v52 =	vld [tilespmem:$0x1FB90]  }
0xa4: {  	[tilespmem:$0x8ED0] =	vst v2;
	v2 =	vld [tilespmem:$0x11100]  }
0xa5: {  	[tilespmem:$0x8EC0] =	vst v3;
	v3 =	vadd.f32 v43, v28;
	v43 =	vld [tilespmem:$0x1FB40]  }
0xa6: {  	[tilespmem:$0x1FE20] =	vst v61;
	v61 =	vld [tilespmem:$0x11CC0]  }
0xa7: {  	[tilespmem:$0x8EE0] =	vst v3;
	v3 =	vld [tilespmem:$0x11D40]  }
0xa8: {  	v36 =	vadd.f32 v38, v41;
	v38 =	vadd.f32 v56, v35;
	v56 =	vld [tilespmem:$0x1FBD0]  }
0xa9: {  	v54 =	vld [tilespmem:$0x1FBB0]  }
0xaa: {  	v47 =	vadd.f32 v55, v58;
	v55 =	vld [tilespmem:$0x1FBC0]  }
0xab: {  	[tilespmem:$0x1FE30] =	vst v61;
	v61 =	vld [tilespmem:$0x11D80]  }
0xac: {  	v49 =	vadd.f32 v59, v63;
	v59 =	vld [tilespmem:$0x1FC00]  }
0xad: {  	v12 =	vadd.f32 v57, v36;
	v57 =	vld [tilespmem:$0x1FBE0]  }
0xae: {  	[tilespmem:$0x1FFF0] =	vst v26;
	v58 =	vld [tilespmem:$0x1FBF0]  }
0xaf: {  	v41 =	vadd.f32 v62, v39;
	[tilespmem:$0x8F30] =	vst v12;
	v10 =	vadd.f32 v46, v42;
	v62 =	vld [tilespmem:$0x1FC10]  }
0xb0: {  	v12 =	vadd.f32 v43, v40;
	[tilespmem:$0x1FE70] =	vst v61;
	v61 =	vld [tilespmem:$0x110D0]  }
0xb1: {  	[tilespmem:$0x8F60] =	vst v10;
	v10 =	vadd.f32 v50, v47;
	v63 =	vld [tilespmem:$0x1FC20]  }
0xb2: {  	[tilespmem:$0x8F50] =	vst v12;
	v12 =	vadd.f32 v48, v44;
	v24 =	vld [tilespmem:$0x1FC30]  }
0xb3: {  	v11 =	vadd.f32 v52, v51;
	[tilespmem:$0x8F80] =	vst v10;
	v27 =	vld [tilespmem:$0x1FC60]  }
0xb4: {  	[tilespmem:$0x8F70] =	vst v12;
	v12 =	vadd.f32 v53, v49;
	v13 =	vadd.f32 v55, v54;
	v25 =	vld [tilespmem:$0x1FC40]  }
0xb5: {  	v10 =	vadd.f32 v56, v11;
	v11 =	vadd.f32 v58, v57;
	[tilespmem:$0x1FE50] =	vst v61;
	v61 =	vld [tilespmem:$0x11CD0]  }
0xb6: {  	[tilespmem:$0x8F90] =	vst v12;
	v12 =	vadd.f32 v59, v13;
	v13 =	vadd.f32 v63, v62;
	v26 =	vld [tilespmem:$0x1FC50]  }
0xb7: {  	[tilespmem:$0x8FA0] =	vst v10;
	v10 =	vadd.f32 v24, v11;
	v24 =	vld [tilespmem:$0x11110]  }
0xb8: {  	[tilespmem:$0x8FB0] =	vst v12;
	v12 =	vadd.f32 v27, v13;
	v27 =	vld [tilespmem:$0x11120]  }
0xb9: {  	v30 =	vld [tilespmem:$0x1FC90]  }
0xba: {  	[tilespmem:$0x1FE60] =	vst v61;
	v61 =	vld [tilespmem:$0x11D90]  }
0xbb: {  	v11 =	vadd.f32 v26, v25;
	v25 =	vld [tilespmem:$0x11CD0]  }
0xbc: {  	v28 =	vld [tilespmem:$0x1FC70]  }
0xbd: {  	v29 =	vld [tilespmem:$0x1FC80]  }
0xbe: {  	v26 =	vld [tilespmem:$0x11D90]  }
0xbf: {  	[tilespmem:$0x1FEA0] =	vst v61;
	v61 =	vld [tilespmem:$0x110E0]  }
0xc0: {  	[tilespmem:$0x8FC0] =	vst v10;
	v10 =	vadd.f32 v30, v11;
	v30 =	vld [tilespmem:$0x11130]  }
0xc1: {  	[tilespmem:$0x8F00] =	vst v33;
	v33 =	vld [tilespmem:$0x1FCC0]  }
0xc2: {  	v13 =	vadd.f32 v29, v28;
	v28 =	vld [tilespmem:$0x11CE0]  }
0xc3: {  	v29 =	vld [tilespmem:$0x11DA0]  }
0xc4: {  	[tilespmem:$0x1FE80] =	vst v61;
	v61 =	vld [tilespmem:$0x11CE0]  }
0xc5: {  	v31 =	vld [tilespmem:$0x1FCA0]  }
0xc6: {  	[tilespmem:$0x8FD0] =	vst v12;
	v12 =	vadd.f32 v33, v13;
	v33 =	vld [tilespmem:$0x11100]  }
0xc7: {  	v32 =	vld [tilespmem:$0x1FCB0]  }
0xc8: {  	v36 =	vld [tilespmem:$0x1FCF0]  }
0xc9: {  	[tilespmem:$0x1FE90] =	vst v61;
	v61 =	vld [tilespmem:$0x11DA0]  }
0xca: {  	v34 =	vld [tilespmem:$0x1FCD0]  }
0xcb: {  	v35 =	vld [tilespmem:$0x1FCE0]  }
0xcc: {  	v11 =	vadd.f32 v32, v31;
	v31 =	vld [tilespmem:$0x11CF0]  }
0xcd: {  	v32 =	vld [tilespmem:$0x11DB0]  }
0xce: {  	[tilespmem:$0x1FED0] =	vst v61;
	v61 =	vld [tilespmem:$0x110F0]  }
0xcf: {  	v40 =	vld [tilespmem:$0x1FD20]  }
0xd0: {  	v13 =	vadd.f32 v35, v34;
	v34 =	vld [tilespmem:$0x11D00]  }
0xd1: {  	v35 =	vld [tilespmem:$0x11D40]  }
0xd2: {  	[tilespmem:$0x8F20] =	vst v38;
	v38 =	vld [tilespmem:$0x1FD00]  }
0xd3: {  	[tilespmem:$0x1FEB0] =	vst v61;
	v61 =	vld [tilespmem:$0x11CF0]  }
0xd4: {  	v39 =	vld [tilespmem:$0x1FD10]  }
0xd5: {  	v43 =	vld [tilespmem:$0x1FD50]  }
0xd6: {  	[tilespmem:$0x8F40] =	vst v41;
	v41 =	vld [tilespmem:$0x1FD30]  }
0xd7: {  	v42 =	vld [tilespmem:$0x1FD40]  }
0xd8: {  	[tilespmem:$0x1FEC0] =	vst v61;
	v61 =	vld [tilespmem:$0x11DB0]  }
0xd9: {  	v47 =	vld [tilespmem:$0x1FD80]  }
0xda: {  	v44 =	vld [tilespmem:$0x1FD60]  }
0xdb: {  	v46 =	vld [tilespmem:$0x1FD70]  }
0xdc: {  	v50 =	vld [tilespmem:$0x1FDB0]  }
0xdd: {  	[tilespmem:$0x1FF00] =	vst v61;
	v61 =	vld [tilespmem:$0x110C0]  }
0xde: {  	v48 =	vld [tilespmem:$0x1FD90]  }
0xdf: {  	v49 =	vld [tilespmem:$0x1FDA0]  }
0xe0: {  	v53 =	vld [tilespmem:$0x1FDE0]  }
0xe1: {  	v51 =	vld [tilespmem:$0x1FDC0]  }
0xe2: {  	[tilespmem:$0x1FEE0] =	vst v61;
	v61 =	vld [tilespmem:$0x11D00]  }
0xe3: {  	v52 =	vld [tilespmem:$0x1FDD0]  }
0xe4: {  	v56 =	vld [tilespmem:$0x1FE10]  }
0xe5: {  	v54 =	vld [tilespmem:$0x1FDF0]  }
0xe6: {  	[tilespmem:$0x8FE0] =	vst v10;
	v57 =	vld [tilespmem:$0x1FE20]  }
0xe7: {  	v10 =	vadd.f32 v36, v11;
	v11 =	vadd.f32 v39, v38;
	[tilespmem:$0x1FEF0] =	vst v61;
	v61 =	vld [tilespmem:$0x11D40]  }
0xe8: {  	v58 =	vld [tilespmem:$0x1FE30]  }
0xe9: {  	[tilespmem:$0x9000] =	vst v10;
	v10 =	vadd.f32 v43, v11;
	v11 =	vadd.f32 v46, v44;
	v55 =	vld [tilespmem:$0x1FE00]  }
0xea: {  	[tilespmem:$0x8FF0] =	vst v12;
	v59 =	vld [tilespmem:$0x1FE40]  }
0xeb: {  	[tilespmem:$0x9020] =	vst v10;
	v10 =	vadd.f32 v50, v11;
	v11 =	vadd.f32 v52, v51;
	v36 =	vld [tilespmem:$0x1FE70]  }
0xec: {  	v12 =	vadd.f32 v40, v13;
	v13 =	vadd.f32 v42, v41;
	[tilespmem:$0x1FF30] =	vst v61;
	v61 =	vld [tilespmem:$0x110D0]  }
0xed: {  	[tilespmem:$0x9040] =	vst v10;
	v10 =	vadd.f32 v56, v11;
	v11 =	vadd.f32 v58, v57;
	v57 =	vld [tilespmem:$0x1FFA0]  }
0xee: {  	[tilespmem:$0x9010] =	vst v12;
	v12 =	vadd.f32 v47, v13;
	v62 =	vld [tilespmem:$0x1FE50]  }
0xef: {  	v13 =	vadd.f32 v49, v48;
	v63 =	vld [tilespmem:$0x1FE60]  }
0xf0: {  	[tilespmem:$0x9030] =	vst v12;
	v58 =	vld [tilespmem:$0x1FFB0]  }
0xf1: {  	v12 =	vadd.f32 v53, v13;
	[tilespmem:$0x1FF10] =	vst v61;
	v61 =	vld [tilespmem:$0x11D10]  }
0xf2: {  	[tilespmem:$0x9060] =	vst v10;
	v13 =	vadd.f32 v55, v54;
	v10 =	vadd.f32 v36, v11;
	v36 =	vld [tilespmem:$0x11110]  }
0xf3: {  	v40 =	vld [tilespmem:$0x1FEA0]  }
0xf4: {  	[tilespmem:$0x9050] =	vst v12;
	v12 =	vadd.f32 v59, v13;
	v13 =	vadd.f32 v63, v62;
	v62 =	vld [tilespmem:$0x1FFD0]  }
0xf5: {  	v63 =	vld [tilespmem:$0x11D60]  }
0xf6: {  	[tilespmem:$0x1FF20] =	vst v61;
	v61 =	vld [tilespmem:$0x11D50]  }
0xf7: {  	v38 =	vld [tilespmem:$0x1FE80]  }
0xf8: {  	[tilespmem:$0x9070] =	vst v12;
	v12 =	vadd.f32 v40, v13;
	v40 =	vld [tilespmem:$0x11120]  }
0xf9: {  	v39 =	vld [tilespmem:$0x1FE90]  }
0xfa: {  	v43 =	vld [tilespmem:$0x1FED0]  }
0xfb: {  	[tilespmem:$0x1FF60] =	vst v61;
	v61 =	vld [tilespmem:$0x110E0]  }
0xfc: {  	v41 =	vld [tilespmem:$0x1FEB0]  }
0xfd: {  	v42 =	vld [tilespmem:$0x1FEC0]  }
0xfe: {  	v11 =	vadd.f32 v39, v38;
	v38 =	vld [tilespmem:$0x11D10]  }
0xff: {  	v47 =	vld [tilespmem:$0x1FF00]  }
0x100: {  	[tilespmem:$0x1FF40] =	vst v61;
	v61 =	vld [tilespmem:$0x11D20]  }
0x101: {  	v39 =	vld [tilespmem:$0x11D50]  }
0x102: {  	v13 =	vadd.f32 v42, v41;
	v41 =	vld [tilespmem:$0x11D20]  }
0x103: {  	v44 =	vld [tilespmem:$0x1FEE0]  }
0x104: {  	[tilespmem:$0x9090] =	vst v12;
	v12 =	vadd.f32 v47, v13;
	v47 =	vld [tilespmem:$0x11130]  }
0x105: {  	[tilespmem:$0x1FF50] =	vst v61;
	v61 =	vld [tilespmem:$0x11D60]  }
0x106: {  	v46 =	vld [tilespmem:$0x1FEF0]  }
0x107: {  	v50 =	vld [tilespmem:$0x1FF30]  }
0x108: {  	v48 =	vld [tilespmem:$0x1FF10]  }
0x109: {  	v49 =	vld [tilespmem:$0x1FF20]  }
0x10a: {  	v5 =	vadd.f32 v5, v7;
	v2 =	vadd.f32 v6, v2;
	[tilespmem:$0x1FF90] =	vst v61;
	v61 =	vld [tilespmem:$0x110F0]  }
0x10b: {  	[tilespmem:$0x9080] =	vst v10;
	v10 =	vadd.f32 v43, v11;
	v11 =	vadd.f32 v46, v44;
	v44 =	vld [tilespmem:$0x1FFE0]  }
0x10c: {  	v4 =	vadd.f32 v4, v5;
	v46 =	vadd.f32 v37, v60;
	v60 =	vld [tilespmem:$0x11130]  }
0x10d: {  	v5 =	vadd.f32 v14, v8;
	v2 =	vadd.f32 v3, v2;
	v53 =	vld [tilespmem:$0x1FF60]  }
0x10e: {  	v3 =	vadd.f32 v16, v15;
	[tilespmem:$0x9130] =	vst v4;
	v13 =	vadd.f32 v49, v48;
	v48 =	vld [tilespmem:$0x1FFF0]  }
0x10f: {  	v4 =	vadd.f32 v9, v5;
	v5 =	vadd.f32 v19, v18;
	[tilespmem:$0x1FF70] =	vst v61;
	v61 =	vld [tilespmem:$0x11D30]  }
0x110: {  	[tilespmem:$0x9140] =	vst v2;
	v2 =	vadd.f32 v17, v3;
	v49 =	vld [tilespmem:$0x11D30]  }
0x111: {  	v3 =	vadd.f32 v22, v21;
	[tilespmem:$0x9150] =	vst v4;
	v4 =	vadd.f32 v20, v5;
	v51 =	vld [tilespmem:$0x1FF40]  }
0x112: {  	[tilespmem:$0x9160] =	vst v2;
	v52 =	vld [tilespmem:$0x1FF50]  }
0x113: {  	v2 =	vadd.f32 v23, v3;
	[tilespmem:$0x9170] =	vst v4;
	v5 =	vadd.f32 v25, v24;
	v56 =	vld [tilespmem:$0x1FF90]  }
0x114: {  	v3 =	vadd.f32 v28, v27;
	v54 =	vld [tilespmem:$0x1FF70];
	[tilespmem:$0x1FF80] =	vst v61  }
0x115: {  	[tilespmem:$0x9180] =	vst v2;
	v4 =	vadd.f32 v26, v5;
	v5 =	vadd.f32 v31, v30;
	v55 =	vld [tilespmem:$0x1FF80]  }
0x116: {  	v2 =	vadd.f32 v29, v3;
	[tilespmem:$0x90B0] =	vst v12;
	v12 =	vadd.f32 v53, v13;
	v53 =	vld [tilespmem:$0x11D00]  }
0x117: {  	[tilespmem:$0x9190] =	vst v4;
	v4 =	vadd.f32 v32, v5;
	v3 =	vadd.f32 v34, v33;
	v61 =	vld [tilespmem:$0x11D70]  }
0x118: {  	[tilespmem:$0x90A0] =	vst v10;
	v10 =	vadd.f32 v50, v11;
	v11 =	vadd.f32 v52, v51;
	v51 =	vld [tilespmem:$0x11D70]  }
0x119: {  	[tilespmem:$0x91A0] =	vst v2;
	v2 =	vadd.f32 v35, v3;
	v5 =	vadd.f32 v38, v36;
	v52 =	vld [tilespmem:$0x11100]  }
0x11a: {  	[tilespmem:$0x90C0] =	vst v10;
	v10 =	vadd.f32 v56, v11;
	v56 =	vld [tilespmem:$0x11D10];
	v13 =	vadd.f32 v55, v54  }
0x11b: {  	v3 =	vadd.f32 v41, v40;
	v11 =	vadd.f32 v58, v57;
	v57 =	vld [tilespmem:$0x11D90]  }
0x11c: {  	[tilespmem:$0x91B0] =	vst v4;
	v4 =	vadd.f32 v39, v5;
	v59 =	vadd.f32 v61, v13;
	v61 =	vld [tilespmem:$0x1FFC0]  }
0x11d: {  	[tilespmem:$0x91C0] =	vst v2;
	v2 =	vadd.f32 v63, v3;
	v58 =	vld [tilespmem:$0x11120]  }
0x11e: {  	[tilespmem:$0x91D0] =	vst v4;
	v55 =	vld [tilespmem:$0x11110]  }
0x11f: {  	[tilespmem:$0x91E0] =	vst v2;
	v50 =	vadd.f32 v45, v46;
	v54 =	vld [tilespmem:$0x11D80]  }
0x120: {  	v5 =	vadd.f32 v49, v47;
	[tilespmem:$0x90F0] =	vst v59;
	v59 =	vld [tilespmem:$0x11D20]  }
0x121: {  	[tilespmem:$0x9120] =	vst v50;
	v13 =	vadd.f32 v62, v61;
	v61 =	vld [tilespmem:$0x11D30]  }
0x122: {  	[tilespmem:$0x90D0] =	vst v12;
	v3 =	vadd.f32 v53, v52;
	v4 =	vadd.f32 v51, v5;
	v62 =	vld [tilespmem:$0x11DA0]  }
0x123: {  	v63 =	vld [tilespmem:$0x11DB0];
	[tilespmem:$0x90E0] =	vst v10;
	v10 =	vadd.f32 v44, v11;
	v5 =	vadd.f32 v56, v55  }
0x124: {  	s31 =	smulhi.u32 $0xAAAAAAAB, s3;
	[tilespmem:$0x91F0] =	vst v4;
	v2 =	vadd.f32 v54, v3  }
0x125: {  	[tilespmem:$0x9100] =	vst v10;
	v4 =	vadd.f32 v57, v5;
	v3 =	vadd.f32 v59, v58  }
0x126: {  	s16 =	smul.u32 $0xAB, s3;
	s15 =	sshrl.u32 s31, $0x3;
	[tilespmem:$0x9200] =	vst v2;
	v12 =	vadd.f32 v48, v13;
	v5 =	vadd.f32 v61, v60  }
0x127: {  	s15 =	smul.u32 $0xFFFFF400, s15;
	[tilespmem:$0x9210] =	vst v4;
	v2 =	vadd.f32 v62, v3  }
0x128: {  	[tilespmem:$0x9110] =	vst v12;
	v3 =	vadd.f32 v63, v5  }
0x129: {  	s16 =	sshrl.u32 s16, $0x5;
	s15 =	sshra.s32 s15, $0x2;
	[tilespmem:$0x9220] =	vst v2  }
0x12a: {  	s18 =	sand.u32 $0x7C0, s16;
	s15 =	sadd.s32 $0x0, s15;
	[tilespmem:$0x9230] =	vst v3  }
0x12b: {  	s19 =	sadd.s32 $0x11040, s15;
	v2 =	vld [tilespmem:s18+$0x11140]  }
0x12c: {  	v3 =	vld [tilespmem:s19+$0x400];
	_ =	sdelay $0x4  }
0x12d: {  	v2 =	vadd.f32 v3, v2  }
0x12e: {  	s15 =	simm.s32 $0x0  }
0x12f: {  	[tilespmem:s15+$0x9240] =	vst v2  }
0x130: {  	v2 =	vld [tilespmem:s18+$0x11150]  }
0x131: {  	v3 =	vld [tilespmem:s19+$0x410];
	_ =	sdelay $0x4  }
0x132: {  	v2 =	vadd.f32 v3, v2;
	_ =	sdelay $0x1  }
0x133: {  	[tilespmem:s15+$0x9250] =	vst v2  }
0x134: {  	v2 =	vld [tilespmem:s18+$0x11160]  }
0x135: {  	v3 =	vld [tilespmem:s19+$0x420];
	_ =	sdelay $0x4  }
0x136: {  	v2 =	vadd.f32 v3, v2;
	_ =	sdelay $0x1  }
0x137: {  	[tilespmem:s15+$0x9260] =	vst v2  }
0x138: {  	s17 =	simm.s32 $0x1;
	v2 =	vld [tilespmem:s18+$0x11170]  }
0x139: {  	s20 =	smulhi.u32 $0xAAAAAAAB, s17;
	v3 =	vld [tilespmem:s19+$0x430]  }
0x13a: {  	s16 =	simm.s32 $0x100  }
0x13b: {  	s20 =	sshrl.u32 s20, $0x3;
	s18 =	simm.s32 $0x200;
	s19 =	smul.u32 $0xAB, s17  }
.LBB2_2:
0x13c: {  	p1 =	sne.s32 s18, $0x8F00  }
0x13d: {  	s20 =	smul.u32 $0xFFFFF400, s20;
	s21 =	smov.u32 s18;
	s18 =	sadd.s32 $0x100, s18  }
0x13e: {  	s19 =	sshrl.u32 s19, $0x5;
	v2 =	vadd.f32 v3, v2  }
0x13f: {  	s22 =	sshra.s32 s16, $0x2;
	s16 =	smov.u32 s21;
	s20 =	sshra.s32 s20, $0x2  }
0x140: {  	s19 =	sand.u32 $0x7C0, s19;
	s20 =	sadd.s32 s22, s20;
	[tilespmem:s15+$0x9270] =	vst v2;
	s15 =	smov.u32 s22  }
0x141: {  	v2 =	vld [tilespmem:s19+$0x11140];
	s20 =	sadd.s32 $0x11040, s20  }
0x142: {  	v3 =	vld [tilespmem:s20+$0x400];
	_ =	sdelay $0x4  }
0x143: {  	v2 =	vadd.f32 v3, v2;
	_ =	sdelay $0x1  }
0x144: {  	[tilespmem:s15+$0x9240] =	vst v2  }
0x145: {  	v2 =	vld [tilespmem:s19+$0x11150]  }
0x146: {  	v3 =	vld [tilespmem:s20+$0x410];
	_ =	sdelay $0x4  }
0x147: {  	v2 =	vadd.f32 v3, v2;
	_ =	sdelay $0x1  }
0x148: {  	[tilespmem:s15+$0x9250] =	vst v2  }
0x149: {  	v2 =	vld [tilespmem:s19+$0x11160]  }
0x14a: {  	v3 =	vld [tilespmem:s20+$0x420];
	_ =	sdelay $0x4  }
0x14b: {  	v2 =	vadd.f32 v3, v2;
	_ =	sdelay $0x1  }
0x14c: {  	[tilespmem:s15+$0x9260] =	vst v2  }
.Ltmp0:
0x14d: {  	v2 =	vld [tilespmem:s19+$0x11170];
	(pc) =	sbr.rel @p1 .LBB2_2-.Ltmp0, $3  }
0x14e: {  	s17 =	sadd.s32 $0x1, s17;
	v3 =	vld [tilespmem:s20+$0x430]  }
0x14f: {  	s19 =	smulhi.u32 $0xAAAAAAAB, s17;
	_ =	sdelay $0x1  }
0x150: {  	s20 =	sshrl.u32 s19, $0x3;
	s19 =	smul.u32 $0xAB, s17  }
0x151: {  	s17 =	smul.u32 $0xFFFFF400, s20  }
0x152: {  	v2 =	vadd.f32 v3, v2  }
0x153: {  	s25 =	sshra.s32 s16, $0x2;
	s18 =	sshrl.u32 s19, $0x5;
	s17 =	sshra.s32 s17, $0x2  }
0x154: {  	s26 =	sand.u32 $0x7C0, s18;
	s16 =	sadd.s32 s25, s17;
	[tilespmem:s15+$0x9270] =	vst v2  }
0x155: {  	v2 =	vld [tilespmem:s26+$0x11140];
	s16 =	sadd.s32 $0x11040, s16  }
0x156: {  	v3 =	vld [tilespmem:s16+$0x400];
	_ =	sdelay $0x4  }
0x157: {  	v2 =	vadd.f32 v3, v2;
	_ =	sdelay $0x1  }
0x158: {  	[tilespmem:s25+$0x9240] =	vst v2  }
0x159: {  	v2 =	vld [tilespmem:s26+$0x11150]  }
0x15a: {  	v3 =	vld [tilespmem:s16+$0x410];
	_ =	sdelay $0x4  }
0x15b: {  	v2 =	vadd.f32 v3, v2  }
0x15c: {  	s15 =	simm.s32 $0x0  }
0x15d: {  	s28 =	smulhi.u32 $0x38E38E39, s15;
	[tilespmem:s25+$0x9250] =	vst v2  }
0x15e: {  	v2 =	vld [tilespmem:s26+$0x11160]  }
0x15f: {  	s18 =	sshrl.u32 s28, $0x3;
	v3 =	vld [tilespmem:s16+$0x420]  }
0x160: {  	s18 =	smul.u32 $0x24, s18;
	_ =	sdelay $0x1  }
0x161: {  	s18 =	ssub.s32 $0x0, s18  }
0x162: {  	s29 =	sshll.u32 s18, $0x10  }
0x163: {  	s19 =	sshra.s32 s29, $0x10;
	v2 =	vadd.f32 v3, v2  }
0x164: {  	s19 =	smul.u32 $0x2AAB, s19  }
0x165: {  	[tilespmem:s25+$0x9260] =	vst v2  }
0x166: {  	s30 =	sshrl.u32 s19, $0x1F;
	s31 =	sshrl.u32 s19, $0x10;
	v2 =	vld [tilespmem:s26+$0x11170]  }
0x167: {  	s21 =	sadd.s32 s30, s31;
	v3 =	vld [tilespmem:s16+$0x430]  }
0x168: {  	s17 =	smul.u32 $0xFFFFFFFA, s21  }
0x169: {  	p4 =	por $0x0, $0x0;
	s22 =	ssub.s32 $0x0, s18  }
.Ltmp1:
0x16a: {  	s22 =	sand.u32 $0xFFFF, s22;
	s17 =	sand.u32 $0xFFFE, s17;
	(pc) =	sbr.rel @p4 .LBB2_4-.Ltmp1, $4  }
0x16b: {  	p2 =	slt.s32 s18, $0x1;
	p1 =	sne.s32 s17, s22  }
0x16c: {  	s19 =	simm.s32 $0xFFFFFE98;
	p1 =	por !p2, !p1;
	v2 =	vadd.f32 v3, v2  }
0x16d: {  	s21 =	sshll.u32 s21, $0x10;
	s17 =	simm.s32 $0xFFFFFE99;
	p3 =	por !p1, !p1  }
0x16e: {  	p1 =	por $0x0, $0x0;
	s16 =	simm.s32 $0xB640;
	[tilespmem:s25+$0x9270] =	vst v2;
	s25 =	sshra.s32 s21, $0x10  }
0x16f: {  	s20 =	simm.s32 $0x1  }
0x170: {  	s19 =	smul.u32 $0xE38F, s19;
	s20 =	simm.s32 @!p3 $0x0  }
0x171: {  	s20 =	ssub.s32 s25, s20  }
0x172: {  	s19 =	sadd.s32 $0x1400118, s19;
	s21 =	smul.u32 $0xFFFFFA, s20;
	s20 =	sshll.u32 s20, $0x8  }
0x173: {  	s19 =	sshrl.u32 s19, $0xF;
	s20 =	sshra.s32 s20, $0x2  }
0x174: {  	s29 =	sand.u32 $0x1FFC0, s19;
	s18 =	sadd.s32 s18, s21;
	v2 =	vld [tilespmem:s20+$0x119C0]  }
0x175: {  	v3 =	vld [tilespmem:s29+$0x11740];
	s18 =	sshll.u32 s18, $0x8  }
0x176: {  	s23 =	sshra.s32 s18, $0x2  }
0x177: {  	v4 =	vld [tilespmem:s23+$0x11B40];
	_ =	sdelay $0x2  }
0x178: {  	v2 =	vadd.f32 v2, v3;
	_ =	sdelay $0x1  }
0x179: {  	v2 =	vadd.f32 v4, v2;
	_ =	sdelay $0x1  }
0x17a: {  	[tilespmem:s16+$0x0] =	vst v2  }
0x17b: {  	v2 =	vld [tilespmem:s29+$0x11750]  }
0x17c: {  	v3 =	vld [tilespmem:s20+$0x119D0];
	_ =	sdelay $0x1  }
0x17d: {  	v4 =	vld [tilespmem:s23+$0x11B50]  }
0x17e: {  	s19 =	simm.s32 $0x1  }
0x17f: {  	s30 =	smulhi.u32 $0x38E38E39, s19  }
0x180: {  	v2 =	vadd.f32 v3, v2  }
0x181: {  	s18 =	sshrl.u32 s30, $0x3  }
0x182: {  	s18 =	smul.u32 $0x24, s18;
	v2 =	vadd.f32 v4, v2;
	_ =	sdelay $0x1  }
0x183: {  	s18 =	ssub.s32 $0x1, s18;
	[tilespmem:s16+$0x10] =	vst v2  }
0x184: {  	s22 =	sshll.u32 s18, $0x10;
	v2 =	vld [tilespmem:s29+$0x11760]  }
0x185: {  	s22 =	sshra.s32 s22, $0x10;
	v3 =	vld [tilespmem:s20+$0x119E0]  }
0x186: {  	s22 =	smul.u32 $0x2AAB, s22  }
0x187: {  	v4 =	vld [tilespmem:s23+$0x11B60]  }
0x188: {  	s24 =	sshrl.u32 s22, $0x1F;
	s22 =	sshrl.u32 s22, $0x10  }
0x189: {  	s24 =	sadd.s32 s24, s22  }
0x18a: {  	s22 =	smul.u32 $0xFFFFFFFA, s24;
	v2 =	vadd.f32 v3, v2  }
0x18b: {  	s31 =	ssub.s32 $0x0, s18  }
0x18c: {  	s25 =	sand.u32 $0xFFFF, s31;
	s22 =	sand.u32 $0xFFFE, s22;
	v2 =	vadd.f32 v4, v2  }
0x18d: {  	p1 =	slt.s32 s18, $0x1;
	p2 =	sne.s32 s22, s25  }
0x18e: {  	p1 =	por !p1, !p2;
	p2 =	por $0x0, $0x0;
	[tilespmem:s16+$0x20] =	vst v2  }
.Ltmp2:
0x18f: {  	v2 =	vld [tilespmem:s29+$0x11770];
	(pc) =	sbr.rel @p2 .LBB2_6-.Ltmp2, $4  }
0x190: {  	v4 =	vld [tilespmem:s20+$0x119F0]  }
0x191: {  	s24 =	sshll.u32 s24, $0x10  }
0x192: {  	s21 =	simm.s32 $0xB640;
	s22 =	simm.s32 $0xFFFFFE9A;
	s25 =	sshra.s32 s24, $0x10;
	v3 =	vld [tilespmem:s23+$0x11B70]  }
0x193: {  	p3 =	por !p1, !p1;
	p1 =	por $0x1, $0x1;
	s20 =	simm.s32 $0xB640  }
.LBB2_7:
0x194: {  	s23 =	simm.s32 $0x1;
	s20 =	sadd.s32 $0x40, s20  }
0x195: {  	v2 =	vadd.f32 v4, v2;
	s24 =	smov.u32 s22;
	s22 =	sadd.s32 $0x1, s22;
	s23 =	simm.s32 @!p3 $0x0  }
0x196: {  	s26 =	smul.u32 $0xE38F, s17;
	p2 =	seq.s32 s22, $0x0;
	s17 =	ssub.s32 s25, s23  }
0x197: {  	v2 =	vadd.f32 v3, v2;
	s23 =	smul.u32 $0xFFFFFA, s17;
	s25 =	sshll.u32 s17, $0x8;
	s17 =	smov.u32 s24  }
0x198: {  	s24 =	sadd.s32 $0x1400118, s26  }
0x199: {  	s24 =	sshrl.u32 s24, $0xF;
	s18 =	sadd.s32 s18, s23;
	s23 =	sshra.s32 s25, $0x2;
	[tilespmem:s21+$0x30] =	vst v2  }
0x19a: {  	s25 =	sand.u32 $0x1FFC0, s24;
	s21 =	smov.u32 s20;
	v2 =	vld [tilespmem:s23+$0x119C0];
	s18 =	sshll.u32 s18, $0x8  }
0x19b: {  	v3 =	vld [tilespmem:s25+$0x11740];
	s24 =	sshra.s32 s18, $0x2  }
0x19c: {  	v4 =	vld [tilespmem:s24+$0x11B40];
	_ =	sdelay $0x3  }
0x19d: {  	v2 =	vadd.f32 v2, v3;
	_ =	sdelay $0x1  }
0x19e: {  	v2 =	vadd.f32 v4, v2;
	_ =	sdelay $0x1  }
0x19f: {  	[tilespmem:s20+$0x0] =	vst v2  }
0x1a0: {  	v2 =	vld [tilespmem:s25+$0x11750]  }
0x1a1: {  	v3 =	vld [tilespmem:s23+$0x119D0];
	_ =	sdelay $0x1  }
0x1a2: {  	v4 =	vld [tilespmem:s24+$0x11B50];
	_ =	sdelay $0x2  }
0x1a3: {  	v2 =	vadd.f32 v3, v2;
	_ =	sdelay $0x1  }
0x1a4: {  	v2 =	vadd.f32 v4, v2  }
0x1a5: {  	s19 =	sadd.s32 $0x1, s19  }
0x1a6: {  	s18 =	smulhi.u32 $0x38E38E39, s19;
	[tilespmem:s20+$0x10] =	vst v2  }
0x1a7: {  	v2 =	vld [tilespmem:s25+$0x11760]  }
0x1a8: {  	s18 =	sshrl.u32 s18, $0x3;
	v3 =	vld [tilespmem:s23+$0x119E0]  }
0x1a9: {  	s18 =	smul.u32 $0x24, s18  }
0x1aa: {  	v4 =	vld [tilespmem:s24+$0x11B60]  }
0x1ab: {  	s18 =	ssub.s32 s19, s18  }
0x1ac: {  	s26 =	sshll.u32 s18, $0x10;
	s28 =	ssub.s32 $0x0, s18  }
0x1ad: {  	s26 =	sshra.s32 s26, $0x10;
	v2 =	vadd.f32 v3, v2  }
0x1ae: {  	s26 =	smul.u32 $0x2AAB, s26  }
0x1af: {  	v2 =	vadd.f32 v4, v2  }
0x1b0: {  	s29 =	sshrl.u32 s26, $0x1F;
	s26 =	sshrl.u32 s26, $0x10  }
0x1b1: {  	s26 =	sadd.s32 s29, s26;
	[tilespmem:s20+$0x20] =	vst v2  }
0x1b2: {  	s29 =	sshll.u32 s26, $0x10;
	s26 =	smul.u32 $0xFFFFFFFA, s26;
	v2 =	vld [tilespmem:s25+$0x11770]  }
.Ltmp3:
0x1b3: {  	s25 =	sshra.s32 s29, $0x10;
	v4 =	vld [tilespmem:s23+$0x119F0];
	(pc) =	sbr.rel @!p2 .LBB2_7-.Ltmp3, $4  }
0x1b4: {  	s23 =	sand.u32 $0xFFFE, s26;
	s26 =	sand.u32 $0xFFFF, s28;
	v3 =	vld [tilespmem:s24+$0x11B70]  }
0x1b5: {  	p3 =	slt.s32 s18, $0x1;
	p4 =	sne.s32 s23, s26  }
0x1b6: {  	p3 =	por !p3, !p4  }
0x1b7: {  	p3 =	por !p3, !p3  }
0x1b8: {  	s19 =	smov.u32 s17  }
.LBB2_9:
0x1b9: {  	s17 =	simm.s32 $0x1;
	v2 =	vadd.f32 @p1 v4, v2  }
0x1ba: {  	s19 =	smul.u32 $0xE38F, s19;
	s17 =	simm.s32 @!p3 $0x0  }
0x1bb: {  	s17 =	ssub.s32 s25, s17;
	v2 =	vadd.f32 @p1 v3, v2  }
0x1bc: {  	s19 =	sadd.s32 $0x1400118, s19;
	s22 =	smul.u32 $0xFFFFFA, s17;
	s17 =	sshll.u32 s17, $0x8  }
0x1bd: {  	s19 =	sshrl.u32 s19, $0xF;
	s17 =	sshra.s32 s17, $0x2;
	[tilespmem:s21+$0x30] =	vst @p1 v2  }
0x1be: {  	s19 =	sand.u32 $0x1FFC0, s19;
	s18 =	sadd.s32 s18, s22;
	v2 =	vld [tilespmem:s17+$0x119C0]  }
0x1bf: {  	v3 =	vld [tilespmem:s19+$0x11740];
	s18 =	sshll.u32 s18, $0x8  }
0x1c0: {  	s18 =	sshra.s32 s18, $0x2  }
0x1c1: {  	v60 =	vld [tilespmem:s18+$0x11B40];
	_ =	sdelay $0x2  }
0x1c2: {  	v2 =	vadd.f32 v2, v3;
	_ =	sdelay $0x1  }
0x1c3: {  	s20 =	sadd.s32 @p1 $0x40, s20;
	v2 =	vadd.f32 v60, v2  }
0x1c4: {  	s16 =	smov.u32 @p1 s20  }
0x1c5: {  	[tilespmem:s16+$0x0] =	vst v2  }
0x1c6: {  	v2 =	vld [tilespmem:s19+$0x11750]  }
0x1c7: {  	v3 =	vld [tilespmem:s17+$0x119D0];
	_ =	sdelay $0x1  }
0x1c8: {  	v61 =	vld [tilespmem:s18+$0x11B50];
	_ =	sdelay $0x2  }
0x1c9: {  	v2 =	vadd.f32 v3, v2;
	_ =	sdelay $0x1  }
0x1ca: {  	v2 =	vadd.f32 v61, v2;
	_ =	sdelay $0x1  }
0x1cb: {  	[tilespmem:s16+$0x10] =	vst v2  }
0x1cc: {  	v2 =	vld [tilespmem:s19+$0x11760]  }
0x1cd: {  	v3 =	vld [tilespmem:s17+$0x119E0];
	_ =	sdelay $0x1  }
0x1ce: {  	v62 =	vld [tilespmem:s18+$0x11B60];
	_ =	sdelay $0x2  }
0x1cf: {  	v2 =	vadd.f32 v3, v2;
	_ =	sdelay $0x1  }
0x1d0: {  	v2 =	vadd.f32 v62, v2;
	_ =	sdelay $0x1  }
0x1d1: {  	[tilespmem:s16+$0x20] =	vst v2  }
0x1d2: {  	v2 =	vld [tilespmem:s19+$0x11770]  }
0x1d3: {  	v3 =	vld [tilespmem:s17+$0x119F0];
	_ =	sdelay $0x1  }
0x1d4: {  	v63 =	vld [tilespmem:s18+$0x11B70];
	_ =	sdelay $0x2  }
0x1d5: {  	v2 =	vadd.f32 v3, v2;
	_ =	sdelay $0x1  }
0x1d6: {  	v2 =	vadd.f32 v63, v2;
	_ =	sdelay $0x1  }
0x1d7: {  	[tilespmem:s16+$0x30] =	vst v2;
	s16 =	simm.s32 @p0 $0x2  }
0x1d8: {  	_ =	swait.ge @p0 [sflag:s16], $0x1C20  }
0x1d9: {  	[sflag:s16] =	ssyncset.done @p0 $0x0  }
0x1da: {  	s17 =	simm.s32 @!p0 $0x2;
	[sflag:s16] =	ssyncadd.s32 @p0 $0xFFFFE3E0  }
0x1db: {  	_ =	swait.ge @!p0 [sflag:s17], $0x7080  }
0x1dc: {  	s16 =	simm.s32 @!p0 $0x8;
	[sflag:s17] =	ssyncset.done @!p0 $0x0  }
0x1dd: {  	s16 =	simm.s32 @p0 $0x2;
	[sflag:s17] =	ssyncadd.s32 @!p0 $0xFFFF8F80;
	s17 =	simm.s32 $0x0  }
.LBB2_10:
0x1de: {  	s18 =	smul.u32 $0x190, s17;
	_ =	sdelay $0x1  }
0x1df: {  	v2 =	vor.u32 s18, v0  }
0x1e0: {  	v3 =	vadd.s32 s15, v2  }
0x1e1: {  	v3 =	vmul.u32 $0x9, v3  }
0x1e2: {  	p1 =	slt.u32 s17, $0x2  }
0x1e3: {  	s19 =	simm.s32 @!p1 $0x1;
	v4 =	vadd.s32 $0x5, v3  }
0x1e4: {  	_ =	swait.ge @!p1 [sflag:s19], $0x6400;
	v5 =	vadd.s32 $0x4, v3  }
0x1e5: {  	[sflag:s19] =	ssyncset.done @!p1 $0x0;
	v7 =	vadd.s32 $0x1, v3  }
0x1e6: {  	[sflag:s19] =	ssyncadd.s32 @!p1 $0xFFFF9C00;
	v6 =	vadd.s32 $0x2, v3  }
0x1e7: {  	v8 =	vadd.s32 $0x3, v3;
	v11 =	vld.idx.msk [tilespmem:v3+s3+$0x0], $0xffff  }
0x1e8: {  	v9 =	vadd.s32 $0x6, v3;
	v4 =	vld.idx.msk [tilespmem:v4+s3+$0x0], $0xffff  }
0x1e9: {  	v10 =	vadd.s32 $0x7, v3;
	v5 =	vld.idx.msk [tilespmem:v5+s3+$0x0], $0xffff  }
0x1ea: {  	v7 =	vld.idx.msk [tilespmem:v7+s3+$0x0], $0xffff  }
0x1eb: {  	v6 =	vld.idx.msk [tilespmem:v6+s3+$0x0], $0xffff  }
0x1ec: {  	v3 =	vadd.s32 $0x8, v3;
	v8 =	vld.idx.msk [tilespmem:v8+s3+$0x0], $0xffff  }
0x1ed: {  	v9 =	vld.idx.msk [tilespmem:v9+s3+$0x0], $0xffff  }
0x1ee: {  	v10 =	vld.idx.msk [tilespmem:v10+s3+$0x0], $0xffff  }
0x1ef: {  	v7 =	vshll.u32 v7, $0x2;
	v5 =	vmul.u32 $0x6, v5  }
0x1f0: {  	v6 =	vmul.u32 $0xC, v6;
	v7 =	vadd.s32 v11, v7  }
0x1f1: {  	s20 =	simm.s32 $0x10;
	v63 =	vld.idx.msk [tilespmem:v3+s3+$0x0], $0xffff;
	v3 =	vadd.s32 v4, v5;
	v4 =	vadd.s32 v8, v7  }
0x1f2: {  	s31 =	sand.u32 $0x1, s17;
	v5 =	vadd.s32 s20, v2;
	v3 =	vmul.u32 $0x6, v3;
	v4 =	vadd.s32 v6, v4  }
0x1f3: {  	p1 =	seq.s32 s31, $0x1;
	s19 =	simm.s32 $0x6400;
	v7 =	vshll.u32 v10, $0x1;
	v6 =	vmov s15;
	v4 =	vadd.s32 v9, v4  }
0x1f4: {  	s19 =	simm.s32 @!p1 $0x0;
	v6 =	vshll.u32 v6, $0x6;
	v3 =	vadd.s32 v3, v4;
	v4 =	vmul.u32 $0x9, v5  }
0x1f5: {  	v6 =	vor.u32 v1, v6;
	v5 =	vadd.s32 v7, v3;
	v3 =	vmov s19  }
0x1f6: {  	v7 =	vadd.s32 v63, v5;
	v6 =	vadd.s32 v3, v6  }
0x1f7: {  	s21 =	simm.s32 $0x20;
	v5 =	vadd.s32 $0x5, v4;
	v7 =	vshll.u32 v7, $0x6  }
.LBB2_11:
0x1f8: {  	p1 =	sne.s32 s21, $0x180;
	v8 =	vadd.s32 $0x4, v4;
	v7 =	vadd.s32 $0x8540, v7  }
0x1f9: {  	v9 =	vadd.s32 $0x2, v4;
	v7 =	vcvt.s32.f32 v7  }
0x1fa: {  	v10 =	vadd.s32 $0x1, v4  }
0x1fb: {  	[tilespmem:v6+s13+$0x0] =	vst.idx.msk $0xffff, v7  }
0x1fc: {  	v6 =	vadd.s32 $0x3, v4;
	v5 =	vld.idx.msk [tilespmem:v5+s3+$0x0], $0xffff  }
0x1fd: {  	v7 =	vld.idx.msk [tilespmem:v8+s3+$0x0], $0xffff  }
0x1fe: {  	v8 =	vld.idx.msk [tilespmem:v9+s3+$0x0], $0xffff;
	v9 =	vadd.s32 $0x6, v4  }
0x1ff: {  	v11 =	vadd.s32 $0x7, v4;
	v10 =	vld.idx.msk [tilespmem:v10+s3+$0x0], $0xffff  }
0x200: {  	v12 =	vld.idx.msk [tilespmem:v4+s3+$0x0], $0xffff  }
0x201: {  	v4 =	vadd.s32 $0x8, v4;
	v6 =	vld.idx.msk [tilespmem:v6+s3+$0x0], $0xffff;
	_ =	sdelay $0x1  }
0x202: {  	v9 =	vld.idx.msk [tilespmem:v9+s3+$0x0], $0xffff  }
0x203: {  	v11 =	vld.idx.msk [tilespmem:v11+s3+$0x0], $0xffff  }
0x204: {  	v7 =	vmul.u32 $0x6, v7;
	v10 =	vshll.u32 v10, $0x2  }
0x205: {  	v13 =	vld.idx.msk [tilespmem:v4+s3+$0x0], $0xffff;
	v4 =	vmul.u32 $0xC, v8;
	v8 =	vadd.s32 v12, v10  }
0x206: {  	v5 =	vadd.s32 v5, v7;
	v6 =	vadd.s32 v6, v8  }
0x207: {  	v5 =	vmul.u32 $0x6, v5;
	v4 =	vadd.s32 v4, v6  }
.Ltmp4:
0x208: {  	v7 =	vmov s20;
	s20 =	smov.u32 s21;
	v6 =	vadd.s32 s21, v2;
	v4 =	vadd.s32 v9, v4;
	(pc) =	sbr.rel @p1 .LBB2_11-.Ltmp4, $4  }
0x209: {  	v7 =	vshll.u32 v7, $0x6;
	v8 =	vshll.u32 v11, $0x1;
	v5 =	vadd.s32 v5, v4  }
0x20a: {  	v4 =	vmul.u32 $0x9, v6;
	v6 =	vor.u32 v1, v7;
	v5 =	vadd.s32 v8, v5  }
0x20b: {  	v6 =	vadd.s32 v3, v6;
	v7 =	vadd.s32 v13, v5  }
0x20c: {  	s21 =	sadd.s32 $0x10, s21;
	v5 =	vadd.s32 $0x5, v4;
	v7 =	vshll.u32 v7, $0x6  }
0x20d: {  	_ = 	snop  }
0x20e: {  	v7 =	vadd.s32 $0x8540, v7  }
0x20f: {  	v2 =	vadd.s32 $0x4, v4;
	v7 =	vcvt.s32.f32 v7  }
0x210: {  	v9 =	vadd.s32 $0x1, v4  }
0x211: {  	v8 =	vadd.s32 $0x2, v4;
	[tilespmem:v6+s13+$0x0] =	vst.idx.msk $0xffff, v7  }
0x212: {  	v57 =	vadd.s32 $0x3, v4;
	v5 =	vld.idx.msk [tilespmem:v5+s3+$0x0], $0xffff  }
0x213: {  	v11 =	vld.idx.msk [tilespmem:v4+s3+$0x0], $0xffff  }
0x214: {  	v58 =	vadd.s32 $0x6, v4;
	v2 =	vld.idx.msk [tilespmem:v2+s3+$0x0], $0xffff  }
0x215: {  	v10 =	vadd.s32 $0x7, v4;
	v9 =	vld.idx.msk [tilespmem:v9+s3+$0x0], $0xffff  }
0x216: {  	v7 =	vld.idx.msk [tilespmem:v8+s3+$0x0], $0xffff  }
0x217: {  	v59 =	vadd.s32 $0x8, v4;
	v6 =	vld.idx.msk [tilespmem:v57+s3+$0x0], $0xffff;
	_ =	sdelay $0x1  }
0x218: {  	v8 =	vld.idx.msk [tilespmem:v58+s3+$0x0], $0xffff  }
0x219: {  	v10 =	vld.idx.msk [tilespmem:v10+s3+$0x0], $0xffff;
	v9 =	vshll.u32 v9, $0x2;
	v2 =	vmul.u32 $0x6, v2  }
0x21a: {  	v7 =	vmul.u32 $0xC, v7;
	v9 =	vadd.s32 v11, v9  }
0x21b: {  	v4 =	vld.idx.msk [tilespmem:v59+s3+$0x0], $0xffff;
	v2 =	vadd.s32 v5, v2;
	v60 =	vadd.s32 v6, v9  }
0x21c: {  	v2 =	vmul.u32 $0x6, v2;
	v5 =	vadd.s32 v7, v60  }
0x21d: {  	v61 =	vmov s20;
	v5 =	vadd.s32 v8, v5  }
0x21e: {  	v62 =	vshll.u32 v10, $0x1;
	v6 =	vshll.u32 v61, $0x6;
	v2 =	vadd.s32 v2, v5  }
0x21f: {  	v63 =	vor.u32 v1, v6;
	v2 =	vadd.s32 v62, v2  }
0x220: {  	s17 =	sadd.s32 $0x1, s17;
	v3 =	vadd.s32 v3, v63;
	v2 =	vadd.s32 v4, v2  }
0x221: {  	p1 =	sne.s32 s17, s16;
	v2 =	vshll.u32 v2, $0x6  }
.Ltmp5:
0x222: {  	v2 =	vadd.s32 $0x8540, v2;
	(pc) =	sbr.rel @p1 .LBB2_10-.Ltmp5, $4  }
0x223: {  	s18 =	sadd.s32 s6, s18;
	v2 =	vcvt.s32.f32 v2  }
0x224: {  	s18 =	sshll.u32 s18, $0x3  }
0x225: {  	s19 =	sadd.s32 $0x11DC0, s19;
	s18 =	sadd.s32 s2, s18;
	[tilespmem:v3+s13+$0x0] =	vst.idx.msk $0xffff, v2  }
0x226: {  	[hbm4b:s18+s3] =	stream.linear.scatter [tilespmem:s19], [sflag:$0x1], $0x6400, $0x38;
	[tilespmem:$0x1E5C0] =	vst v63  }
0x227: {  	s14 =	sadd.s32 $0x1, s14  }
0x228: {  	_ =	swait.ge [sflag:s12], $0x6400;
	p1 =	sne.s32 s14, s9  }
.Ltmp6:
0x229: {  	[sflag:s12] =	ssyncset.done $0x0;
	(pc) =	sbr.rel @p1 .LBB2_1-.Ltmp6, $4  }
.Ltmp7:
0x22a: {  	[sflag:s12] =	ssyncadd.s32 $0xFFFF9C00;
	(pc) =	sbr.rel @!p1 .LBB2_14-.Ltmp7, $4  }
0x22b: {  	_ =	swait.ge [sflag:s12], $0x6400  }
0x22c: {  	[sflag:s12] =	ssyncset.done $0x0  }
0x22d: {  	[sflag:s12] =	ssyncadd.s32 $0xFFFF9C00  }
0x22e: {  	_ = 	snop  }
.LBB2_4:
.Ltmp8:
0x22f: {  	(pc) =	sbr.rel .LBB2_9-.Ltmp8, $2  }
0x230: {  	_ =	sdelay $0x2  }
0x231: {  	s20 =	simm.s32 $0xB640  }
.LBB2_6:
.Ltmp9:
0x232: {  	(pc) =	sbr.rel .LBB2_9-.Ltmp9, $2  }
0x233: {  	_ =	sdelay $0x2  }
0x234: {  	s20 =	simm.s32 $0xB640;
	s19 =	simm.s32 $0xFFFFFE99;
	s21 =	simm.s32 $0xB640  }
.LBB2_14:
0x235: {  	_ =	sfence.sel $0x180000  }
0x236: {  	[bflag:$0x0] =	sbarrier.arrive $0xFFFF  }
0x237: {  	p0 =	sne.s32 s0, $0x0;
	_ =	strace $0x90000047  }
0x238: {  	s0 =	sadd.s32 @!p0 $0x100000, s1;
	[bflag:$0x2] =	sbarrier.arrive $0xFFFF  }
0x239: {  	[sflag:s0] =	ssyncadd.tile.s32 @!p0 $0x1;
	_ =	shalt  }
.Lfunc_end2:
_tile_overlayer_lowered:
.L_overlay_start_2:
0x23a: {  	(tag) =	ssettag $0x2  }
0x23b: {  	s0 =	rddreg [dreg:$0x0];
	s2 =	stileid.u32  }
0x23c: {  	s1 =	rddreg [dreg:$0x1];
	p0 =	sne.s32 s2, $0x0  }
0x23d: {  	s3 =	rddreg [dreg:$0x2];
	[bflag:$0x3] =	sbarrier.arrive $0xFFFF;
	s2 =	simm.s32 @!p0 $0x1C03  }
0x23e: {  	[timem:s3], [sflag:s2] =	dma.local @!p0 [hbm:s0], s1  }
0x23f: {  	s0 =	simm.s32 @!p0 $0x3  }
0x240: {  	_ =	swait.ge @!p0 [sflag:s0], s1  }
0x241: {  	s1 =	ssub.s32 @!p0 $0x0, s1;
	[sflag:s0] =	ssyncset.done @!p0 $0x0  }
0x242: {  	[sflag:s0] =	ssyncadd.s32 @!p0 s1  }
0x243: {  	[bflag:$0x3] =	sbarrier.arrive $0xFFFF  }
0x244: {  	_ =	shalt  }

</sc_bundles>
